<compile_context>
chip_gen: v7x
topology: tpu7x:2x2x1
jax: 0.10.2.dev20260603
libtpu: 0.0.44.dev20260713+nightly
codegen_flags: <defaults>
</compile_context>

<pallas_src>
import functools

import jax
import jax.numpy as jnp
from jax import lax
from jax.experimental import pallas as pl
from jax.experimental.pallas import tpu as pltpu
from jax.experimental.pallas import tpu_sc as plsc

_B, _T, _D = 1024, 50, 300
_CHUNK = 2


def _sc_copy(v_hbm, o_hbm, buf0, buf1, sem_in, sem_out, nc):
    wid = lax.axis_index("s") * nc + lax.axis_index("c")
    rows_per_w = _B // (nc * 16)
    n = rows_per_w // _CHUNK
    base = wid * rows_per_w
    bufs = (buf0, buf1)

    ins = [
        pltpu.make_async_copy(
            v_hbm.at[pl.ds(base + i * _CHUNK, _CHUNK)], bufs[i % 2], sem_in.at[i % 2]
        )
        for i in range(n)
    ]
    outs = [
        pltpu.make_async_copy(
            bufs[i % 2], o_hbm.at[pl.ds(base + i * _CHUNK, _CHUNK)], sem_out.at[i % 2]
        )
        for i in range(n)
    ]

    ins[0].start()
    for i in range(n):
        ins[i].wait()
        outs[i].start()
        if i + 1 < n:
            if i >= 1:
                outs[i - 1].wait()
            ins[i + 1].start()
    if n >= 2:
        outs[n - 2].wait()
    outs[n - 1].wait()


def kernel(video, ques, attr, emb):
    del ques, attr, emb
    info = plsc.get_sparse_core_info()
    nc = info.num_cores
    mesh = plsc.VectorSubcoreMesh(core_axis_name="c", subcore_axis_name="s")
    k = pl.kernel(
        functools.partial(_sc_copy, nc=nc),
        out_type=jax.ShapeDtypeStruct((_B, _T, _D), jnp.float32),
        mesh=mesh,
        scratch_types=[
            pltpu.VMEM((_CHUNK, _T, _D), jnp.float32),
            pltpu.VMEM((_CHUNK, _T, _D), jnp.float32),
            pltpu.SemaphoreType.DMA((2,)),
            pltpu.SemaphoreType.DMA((2,)),
        ],
    )
    return k(video)

# --- scband reference (transcript-rebuilt; emitter-appended) ---
"""Pipeline reference for scband-vqanet-16484084483117 (READ-ONLY COPY).

The authoritative reference and input builder live on the scoring server;
editing this copy changes nothing except your own understanding.
"""

import jax, jax.numpy as jnp
import numpy as np

VOCAB = 2243
EMB_DIM = 300


def setup_inputs(seed: int = 0) -> dict:
    key = jax.random.key(seed)
    k_video, k_ques, k_attr, k_emb = jax.random.split(key, 4)
    video = jax.random.normal(k_video, (1024, 50, 300), dtype=jnp.float32)
    ques = jax.random.randint(k_ques, (1024, 5, 50), 0, VOCAB, dtype=jnp.int64)
    attr = jax.random.randint(k_attr, (1024, 20), 0, VOCAB, dtype=jnp.int64)
    emb = jax.random.normal(k_emb, (VOCAB, EMB_DIM), dtype=jnp.float32)
    return {"video": video, "ques": ques, "attr": attr, "emb": emb}


def reference(video, ques, attr, emb):
    # torch.split(ques, 1, dim=1) -> 5 chunks, then squeeze dim=1, then embedding lookup
    qs = [jnp.take(emb, ques[:, i, :], axis=0) for i in range(5)]
    # self.q_pro = Dropout(0.05): identity in eval/inference
    # self.video_dp1 = Dropout2d(0.05): identity in eval/inference
    v = video
    a = jnp.take(emb, attr, axis=0)
    # module returns only v; qs and a are computed but unused in the output
    del qs, a
    return v

if __name__ == "__main__":
    import jax
    _d = setup_inputs()
    print(jax.jit(kernel)(*tuple(_d.values())))

</pallas_src>

<mosaic_0001>
#map = affine_map<(d0, d1) -> (0, 0, 0)>
module attributes {stable_mosaic.version = 14 : i64} {
  func.func @_sc_copy(%arg0: i32, %arg1: i32, %arg2: memref<1024x50x300xf32, #tpu.memory_space<hbm>>, %arg3: memref<1024x50x300xf32, #tpu.memory_space<hbm>>, %arg4: memref<2x50x300xf32, #tpu.memory_space<vmem>>, %arg5: memref<2x50x300xf32, #tpu.memory_space<vmem>>, %arg6: memref<2x!tpu.dma_semaphore, #tpu.memory_space<semaphore_mem>>, %arg7: memref<2x!tpu.dma_semaphore, #tpu.memory_space<semaphore_mem>>) attributes {dimension_semantics = [#tpu.dimension_semantics<core_parallel>, #tpu.dimension_semantics<subcore_parallel>], iteration_bounds = array<i64: 2, 16>, scalar_prefetch = 0 : i64, scratch_operands = 4 : i64, tpu.core_type = #tpu.core_type<sc_vector_subcore>, window_params = [{transform_indices = #map}, {transform_indices = #map}]} {
    %mul3A = arith.constant 2 : i32
    %mul3A_0 = arith.muli %arg1, %mul3A : i32
    %add3A = arith.addi %mul3A_0, %arg0 : i32
    %mul3A_1 = arith.constant 32 : i32
    %mul3A_2 = arith.muli %add3A, %mul3A_1 : i32
    %add3A_3 = arith.constant 0 : i32
    %add3A_4 = arith.addi %mul3A_2, %add3A_3 : i32
    %add3A_5 = arith.constant 2 : i32
    %add3A_6 = arith.addi %mul3A_2, %add3A_5 : i32
    %add3A_7 = arith.constant 4 : i32
    %add3A_8 = arith.addi %mul3A_2, %add3A_7 : i32
    %add3A_9 = arith.constant 6 : i32
    %add3A_10 = arith.addi %mul3A_2, %add3A_9 : i32
    %add3A_11 = arith.constant 8 : i32
    %add3A_12 = arith.addi %mul3A_2, %add3A_11 : i32
    %add3A_13 = arith.constant 10 : i32
    %add3A_14 = arith.addi %mul3A_2, %add3A_13 : i32
    %add3A_15 = arith.constant 12 : i32
    %add3A_16 = arith.addi %mul3A_2, %add3A_15 : i32
    %add3A_17 = arith.constant 14 : i32
    %add3A_18 = arith.addi %mul3A_2, %add3A_17 : i32
    %add3A_19 = arith.constant 16 : i32
    %add3A_20 = arith.addi %mul3A_2, %add3A_19 : i32
    %add3A_21 = arith.constant 18 : i32
    %add3A_22 = arith.addi %mul3A_2, %add3A_21 : i32
    %add3A_23 = arith.constant 20 : i32
    %add3A_24 = arith.addi %mul3A_2, %add3A_23 : i32
    %add3A_25 = arith.constant 22 : i32
    %add3A_26 = arith.addi %mul3A_2, %add3A_25 : i32
    %add3A_27 = arith.constant 24 : i32
    %add3A_28 = arith.addi %mul3A_2, %add3A_27 : i32
    %add3A_29 = arith.constant 26 : i32
    %add3A_30 = arith.addi %mul3A_2, %add3A_29 : i32
    %add3A_31 = arith.constant 28 : i32
    %add3A_32 = arith.addi %mul3A_2, %add3A_31 : i32
    %add3A_33 = arith.constant 30 : i32
    %add3A_34 = arith.addi %mul3A_2, %add3A_33 : i32
    %add3A_35 = arith.constant 0 : i32
    %add3A_36 = arith.addi %mul3A_2, %add3A_35 : i32
    %add3A_37 = arith.constant 2 : i32
    %add3A_38 = arith.addi %mul3A_2, %add3A_37 : i32
    %add3A_39 = arith.constant 4 : i32
    %add3A_40 = arith.addi %mul3A_2, %add3A_39 : i32
    %add3A_41 = arith.constant 6 : i32
    %add3A_42 = arith.addi %mul3A_2, %add3A_41 : i32
    %add3A_43 = arith.constant 8 : i32
    %add3A_44 = arith.addi %mul3A_2, %add3A_43 : i32
    %add3A_45 = arith.constant 10 : i32
    %add3A_46 = arith.addi %mul3A_2, %add3A_45 : i32
    %add3A_47 = arith.constant 12 : i32
    %add3A_48 = arith.addi %mul3A_2, %add3A_47 : i32
    %add3A_49 = arith.constant 14 : i32
    %add3A_50 = arith.addi %mul3A_2, %add3A_49 : i32
    %add3A_51 = arith.constant 16 : i32
    %add3A_52 = arith.addi %mul3A_2, %add3A_51 : i32
    %add3A_53 = arith.constant 18 : i32
    %add3A_54 = arith.addi %mul3A_2, %add3A_53 : i32
    %add3A_55 = arith.constant 20 : i32
    %add3A_56 = arith.addi %mul3A_2, %add3A_55 : i32
    %add3A_57 = arith.constant 22 : i32
    %add3A_58 = arith.addi %mul3A_2, %add3A_57 : i32
    %add3A_59 = arith.constant 24 : i32
    %add3A_60 = arith.addi %mul3A_2, %add3A_59 : i32
    %add3A_61 = arith.constant 26 : i32
    %add3A_62 = arith.addi %mul3A_2, %add3A_61 : i32
    %add3A_63 = arith.constant 28 : i32
    %add3A_64 = arith.addi %mul3A_2, %add3A_63 : i32
    %add3A_65 = arith.constant 30 : i32
    %add3A_66 = arith.addi %mul3A_2, %add3A_65 : i32
    %dma_start3A = arith.constant 0 : i32
    %dma_start3A_67 = arith.constant 0 : i32
    %dma_start3A_68 = arith.constant 0 : i32
    %dma_start3A_69 = tpu.memref_slice %arg2[%add3A_4, %dma_start3A_67, %dma_start3A_68] : memref<1024x50x300xf32, #tpu.memory_space<hbm>> -> memref<2x50x300xf32, #tpu.memory_space<hbm>>
    %dma_start3A_70 = tpu.memref_slice %arg6[%dma_start3A] : memref<2x!tpu.dma_semaphore, #tpu.memory_space<semaphore_mem>> -> memref<1x!tpu.dma_semaphore, #tpu.memory_space<semaphore_mem>>
    %dma_start3A_71 = tpu.memref_squeeze %dma_start3A_70 : memref<1x!tpu.dma_semaphore, #tpu.memory_space<semaphore_mem>> -> memref<!tpu.dma_semaphore, #tpu.memory_space<semaphore_mem>>
    %dma_start3A_72 = arith.constant 0 : i32
    %dma_start3A_73 = arith.constant 0 : i32
    %dma_start3A_74 = tpu.memref_slice %arg2[%add3A_4, %dma_start3A_72, %dma_start3A_73] : memref<1024x50x300xf32, #tpu.memory_space<hbm>> -> memref<2x50x300xf32, #tpu.memory_space<hbm>>
    tpu.enqueue_dma source(%dma_start3A_74 : memref<2x50x300xf32, #tpu.memory_space<hbm>>) target(%arg4 : memref<2x50x300xf32, #tpu.memory_space<vmem>>) target_semaphore(%dma_start3A_71 : memref<!tpu.dma_semaphore, #tpu.memory_space<semaphore_mem>>)
    %dma_wait3A = arith.constant 0 : i32
    %dma_wait3A_75 = arith.constant 0 : i32
    %dma_wait3A_76 = arith.constant 0 : i32
    %dma_wait3A_77 = tpu.memref_slice %arg2[%add3A_4, %dma_wait3A_75, %dma_wait3A_76] : memref<1024x50x300xf32, #tpu.memory_space<hbm>> -> memref<2x50x300xf32, #tpu.memory_space<hbm>>
    %dma_wait3A_78 = tpu.memref_slice %arg6[%dma_wait3A] : memref<2x!tpu.dma_semaphore, #tpu.memory_space<semaphore_mem>> -> memref<1x!tpu.dma_semaphore, #tpu.memory_space<semaphore_mem>>
    %dma_wait3A_79 = tpu.memref_squeeze %dma_wait3A_78 : memref<1x!tpu.dma_semaphore, #tpu.memory_space<semaphore_mem>> -> memref<!tpu.dma_semaphore, #tpu.memory_space<semaphore_mem>>
    %dma_wait3A_80 = arith.constant 0 : i32
    %dma_wait3A_81 = arith.constant 0 : i32
    %dma_wait3A_82 = tpu.memref_slice %arg2[%add3A_4, %dma_wait3A_80, %dma_wait3A_81] : memref<1024x50x300xf32, #tpu.memory_space<hbm>> -> memref<2x50x300xf32, #tpu.memory_space<hbm>>
    tpu.wait_dma2 semaphore(%dma_wait3A_79 : memref<!tpu.dma_semaphore, #tpu.memory_space<semaphore_mem>>) src(%dma_wait3A_82 : memref<2x50x300xf32, #tpu.memory_space<hbm>>) dst(%arg4 : memref<2x50x300xf32, #tpu.memory_space<vmem>>)
    %dma_start3A_83 = arith.constant 0 : i32
    %dma_start3A_84 = arith.constant 0 : i32
    %dma_start3A_85 = arith.constant 0 : i32
    %dma_start3A_86 = tpu.memref_slice %arg3[%add3A_36, %dma_start3A_84, %dma_start3A_85] : memref<1024x50x300xf32, #tpu.memory_space<hbm>> -> memref<2x50x300xf32, #tpu.memory_space<hbm>>
    %dma_start3A_87 = tpu.memref_slice %arg7[%dma_start3A_83] : memref<2x!tpu.dma_semaphore, #tpu.memory_space<semaphore_mem>> -> memref<1x!tpu.dma_semaphore, #tpu.memory_space<semaphore_mem>>
    %dma_start3A_88 = tpu.memref_squeeze %dma_start3A_87 : memref<1x!tpu.dma_semaphore, #tpu.memory_space<semaphore_mem>> -> memref<!tpu.dma_semaphore, #tpu.memory_space<semaphore_mem>>
    %dma_start3A_89 = arith.constant 0 : i32
    %dma_start3A_90 = arith.constant 0 : i32
    %dma_start3A_91 = tpu.memref_slice %arg3[%add3A_36, %dma_start3A_89, %dma_start3A_90] : memref<1024x50x300xf32, #tpu.memory_space<hbm>> -> memref<2x50x300xf32, #tpu.memory_space<hbm>>
    tpu.enqueue_dma source(%arg4 : memref<2x50x300xf32, #tpu.memory_space<vmem>>) target(%dma_start3A_91 : memref<2x50x300xf32, #tpu.memory_space<hbm>>) target_semaphore(%dma_start3A_88 : memref<!tpu.dma_semaphore, #tpu.memory_space<semaphore_mem>>)
    %dma_start3A_92 = arith.constant 1 : i32
    %dma_start3A_93 = arith.constant 0 : i32
    %dma_start3A_94 = arith.constant 0 : i32
    %dma_start3A_95 = tpu.memref_slice %arg2[%add3A_6, %dma_start3A_93, %dma_start3A_94] : memref<1024x50x300xf32, #tpu.memory_space<hbm>> -> memref<2x50x300xf32, #tpu.memory_space<hbm>>
    %dma_start3A_96 = tpu.memref_slice %arg6[%dma_start3A_92] : memref<2x!tpu.dma_semaphore, #tpu.memory_space<semaphore_mem>> -> memref<1x!tpu.dma_semaphore, #tpu.memory_space<semaphore_mem>>
    %dma_start3A_97 = tpu.memref_squeeze %dma_start3A_96 : memref<1x!tpu.dma_semaphore, #tpu.memory_space<semaphore_mem>> -> memref<!tpu.dma_semaphore, #tpu.memory_space<semaphore_mem>>
    %dma_start3A_98 = arith.constant 0 : i32
    %dma_start3A_99 = arith.constant 0 : i32
    %dma_start3A_100 = tpu.memref_slice %arg2[%add3A_6, %dma_start3A_98, %dma_start3A_99] : memref<1024x50x300xf32, #tpu.memory_space<hbm>> -> memref<2x50x300xf32, #tpu.memory_space<hbm>>
    tpu.enqueue_dma source(%dma_start3A_100 : memref<2x50x300xf32, #tpu.memory_space<hbm>>) target(%arg5 : memref<2x50x300xf32, #tpu.memory_space<vmem>>) target_semaphore(%dma_start3A_97 : memref<!tpu.dma_semaphore, #tpu.memory_space<semaphore_mem>>)
    %dma_wait3A_101 = arith.constant 1 : i32
    %dma_wait3A_102 = arith.constant 0 : i32
    %dma_wait3A_103 = arith.constant 0 : i32
    %dma_wait3A_104 = tpu.memref_slice %arg2[%add3A_6, %dma_wait3A_102, %dma_wait3A_103] : memref<1024x50x300xf32, #tpu.memory_space<hbm>> -> memref<2x50x300xf32, #tpu.memory_space<hbm>>
    %dma_wait3A_105 = tpu.memref_slice %arg6[%dma_wait3A_101] : memref<2x!tpu.dma_semaphore, #tpu.memory_space<semaphore_mem>> -> memref<1x!tpu.dma_semaphore, #tpu.memory_space<semaphore_mem>>
    %dma_wait3A_106 = tpu.memref_squeeze %dma_wait3A_105 : memref<1x!tpu.dma_semaphore, #tpu.memory_space<semaphore_mem>> -> memref<!tpu.dma_semaphore, #tpu.memory_space<semaphore_mem>>
    %dma_wait3A_107 = arith.constant 0 : i32
    %dma_wait3A_108 = arith.constant 0 : i32
    %dma_wait3A_109 = tpu.memref_slice %arg2[%add3A_6, %dma_wait3A_107, %dma_wait3A_108] : memref<1024x50x300xf32, #tpu.memory_space<hbm>> -> memref<2x50x300xf32, #tpu.memory_space<hbm>>
    tpu.wait_dma2 semaphore(%dma_wait3A_106 : memref<!tpu.dma_semaphore, #tpu.memory_space<semaphore_mem>>) src(%dma_wait3A_109 : memref<2x50x300xf32, #tpu.memory_space<hbm>>) dst(%arg5 : memref<2x50x300xf32, #tpu.memory_space<vmem>>)
    %dma_start3A_110 = arith.constant 1 : i32
    %dma_start3A_111 = arith.constant 0 : i32
    %dma_start3A_112 = arith.constant 0 : i32
    %dma_start3A_113 = tpu.memref_slice %arg3[%add3A_38, %dma_start3A_111, %dma_start3A_112] : memref<1024x50x300xf32, #tpu.memory_space<hbm>> -> memref<2x50x300xf32, #tpu.memory_space<hbm>>
    %dma_start3A_114 = tpu.memref_slice %arg7[%dma_start3A_110] : memref<2x!tpu.dma_semaphore, #tpu.memory_space<semaphore_mem>> -> memref<1x!tpu.dma_semaphore, #tpu.memory_space<semaphore_mem>>
    %dma_start3A_115 = tpu.memref_squeeze %dma_start3A_114 : memref<1x!tpu.dma_semaphore, #tpu.memory_space<semaphore_mem>> -> memref<!tpu.dma_semaphore, #tpu.memory_space<semaphore_mem>>
    %dma_start3A_116 = arith.constant 0 : i32
    %dma_start3A_117 = arith.constant 0 : i32
    %dma_start3A_118 = tpu.memref_slice %arg3[%add3A_38, %dma_start3A_116, %dma_start3A_117] : memref<1024x50x300xf32, #tpu.memory_space<hbm>> -> memref<2x50x300xf32, #tpu.memory_space<hbm>>
    tpu.enqueue_dma source(%arg5 : memref<2x50x300xf32, #tpu.memory_space<vmem>>) target(%dma_start3A_118 : memref<2x50x300xf32, #tpu.memory_space<hbm>>) target_semaphore(%dma_start3A_115 : memref<!tpu.dma_semaphore, #tpu.memory_space<semaphore_mem>>)
    %dma_wait3A_119 = arith.constant 0 : i32
    %dma_wait3A_120 = arith.constant 0 : i32
    %dma_wait3A_121 = arith.constant 0 : i32
    %dma_wait3A_122 = tpu.memref_slice %arg3[%add3A_36, %dma_wait3A_120, %dma_wait3A_121] : memref<1024x50x300xf32, #tpu.memory_space<hbm>> -> memref<2x50x300xf32, #tpu.memory_space<hbm>>
    %dma_wait3A_123 = tpu.memref_slice %arg7[%dma_wait3A_119] : memref<2x!tpu.dma_semaphore, #tpu.memory_space<semaphore_mem>> -> memref<1x!tpu.dma_semaphore, #tpu.memory_space<semaphore_mem>>
    %dma_wait3A_124 = tpu.memref_squeeze %dma_wait3A_123 : memref<1x!tpu.dma_semaphore, #tpu.memory_space<semaphore_mem>> -> memref<!tpu.dma_semaphore, #tpu.memory_space<semaphore_mem>>
    %dma_wait3A_125 = arith.constant 0 : i32
    %dma_wait3A_126 = arith.constant 0 : i32
    %dma_wait3A_127 = tpu.memref_slice %arg3[%add3A_36, %dma_wait3A_125, %dma_wait3A_126] : memref<1024x50x300xf32, #tpu.memory_space<hbm>> -> memref<2x50x300xf32, #tpu.memory_space<hbm>>
    tpu.wait_dma2 semaphore(%dma_wait3A_124 : memref<!tpu.dma_semaphore, #tpu.memory_space<semaphore_mem>>) src(%arg4 : memref<2x50x300xf32, #tpu.memory_space<vmem>>) dst(%dma_wait3A_127 : memref<2x50x300xf32, #tpu.memory_space<hbm>>)
    %dma_start3A_128 = arith.constant 0 : i32
    %dma_start3A_129 = arith.constant 0 : i32
    %dma_start3A_130 = arith.constant 0 : i32
    %dma_start3A_131 = tpu.memref_slice %arg2[%add3A_8, %dma_start3A_129, %dma_start3A_130] : memref<1024x50x300xf32, #tpu.memory_space<hbm>> -> memref<2x50x300xf32, #tpu.memory_space<hbm>>
    %dma_start3A_132 = tpu.memref_slice %arg6[%dma_start3A_128] : memref<2x!tpu.dma_semaphore, #tpu.memory_space<semaphore_mem>> -> memref<1x!tpu.dma_semaphore, #tpu.memory_space<semaphore_mem>>
    %dma_start3A_133 = tpu.memref_squeeze %dma_start3A_132 : memref<1x!tpu.dma_semaphore, #tpu.memory_space<semaphore_mem>> -> memref<!tpu.dma_semaphore, #tpu.memory_space<semaphore_mem>>
    %dma_start3A_134 = arith.constant 0 : i32
    %dma_start3A_135 = arith.constant 0 : i32
    %dma_start3A_136 = tpu.memref_slice %arg2[%add3A_8, %dma_start3A_134, %dma_start3A_135] : memref<1024x50x300xf32, #tpu.memory_space<hbm>> -> memref<2x50x300xf32, #tpu.memory_space<hbm>>
    tpu.enqueue_dma source(%dma_start3A_136 : memref<2x50x300xf32, #tpu.memory_space<hbm>>) target(%arg4 : memref<2x50x300xf32, #tpu.memory_space<vmem>>) target_semaphore(%dma_start3A_133 : memref<!tpu.dma_semaphore, #tpu.memory_space<semaphore_mem>>)
    %dma_wait3A_137 = arith.constant 0 : i32
    %dma_wait3A_138 = arith.constant 0 : i32
    %dma_wait3A_139 = arith.constant 0 : i32
    %dma_wait3A_140 = tpu.memref_slice %arg2[%add3A_8, %dma_wait3A_138, %dma_wait3A_139] : memref<1024x50x300xf32, #tpu.memory_space<hbm>> -> memref<2x50x300xf32, #tpu.memory_space<hbm>>
    %dma_wait3A_141 = tpu.memref_slice %arg6[%dma_wait3A_137] : memref<2x!tpu.dma_semaphore, #tpu.memory_space<semaphore_mem>> -> memref<1x!tpu.dma_semaphore, #tpu.memory_space<semaphore_mem>>
    %dma_wait3A_142 = tpu.memref_squeeze %dma_wait3A_141 : memref<1x!tpu.dma_semaphore, #tpu.memory_space<semaphore_mem>> -> memref<!tpu.dma_semaphore, #tpu.memory_space<semaphore_mem>>
    %dma_wait3A_143 = arith.constant 0 : i32
    %dma_wait3A_144 = arith.constant 0 : i32
    %dma_wait3A_145 = tpu.memref_slice %arg2[%add3A_8, %dma_wait3A_143, %dma_wait3A_144] : memref<1024x50x300xf32, #tpu.memory_space<hbm>> -> memref<2x50x300xf32, #tpu.memory_space<hbm>>
    tpu.wait_dma2 semaphore(%dma_wait3A_142 : memref<!tpu.dma_semaphore, #tpu.memory_space<semaphore_mem>>) src(%dma_wait3A_145 : memref<2x50x300xf32, #tpu.memory_space<hbm>>) dst(%arg4 : memref<2x50x300xf32, #tpu.memory_space<vmem>>)
    %dma_start3A_146 = arith.constant 0 : i32
    %dma_start3A_147 = arith.constant 0 : i32
    %dma_start3A_148 = arith.constant 0 : i32
    %dma_start3A_149 = tpu.memref_slice %arg3[%add3A_40, %dma_start3A_147, %dma_start3A_148] : memref<1024x50x300xf32, #tpu.memory_space<hbm>> -> memref<2x50x300xf32, #tpu.memory_space<hbm>>
    %dma_start3A_150 = tpu.memref_slice %arg7[%dma_start3A_146] : memref<2x!tpu.dma_semaphore, #tpu.memory_space<semaphore_mem>> -> memref<1x!tpu.dma_semaphore, #tpu.memory_space<semaphore_mem>>
    %dma_start3A_151 = tpu.memref_squeeze %dma_start3A_150 : memref<1x!tpu.dma_semaphore, #tpu.memory_space<semaphore_mem>> -> memref<!tpu.dma_semaphore, #tpu.memory_space<semaphore_mem>>
    %dma_start3A_152 = arith.constant 0 : i32
    %dma_start3A_153 = arith.constant 0 : i32
    %dma_start3A_154 = tpu.memref_slice %arg3[%add3A_40, %dma_start3A_152, %dma_start3A_153] : memref<1024x50x300xf32, #tpu.memory_space<hbm>> -> memref<2x50x300xf32, #tpu.memory_space<hbm>>
    tpu.enqueue_dma source(%arg4 : memref<2x50x300xf32, #tpu.memory_space<vmem>>) target(%dma_start3A_154 : memref<2x50x300xf32, #tpu.memory_space<hbm>>) target_semaphore(%dma_start3A_151 : memref<!tpu.dma_semaphore, #tpu.memory_space<semaphore_mem>>)
    %dma_wait3A_155 = arith.constant 1 : i32
    %dma_wait3A_156 = arith.constant 0 : i32
    %dma_wait3A_157 = arith.constant 0 : i32
    %dma_wait3A_158 = tpu.memref_slice %arg3[%add3A_38, %dma_wait3A_156, %dma_wait3A_157] : memref<1024x50x300xf32, #tpu.memory_space<hbm>> -> memref<2x50x300xf32, #tpu.memory_space<hbm>>
    %dma_wait3A_159 = tpu.memref_slice %arg7[%dma_wait3A_155] : memref<2x!tpu.dma_semaphore, #tpu.memory_space<semaphore_mem>> -> memref<1x!tpu.dma_semaphore, #tpu.memory_space<semaphore_mem>>
    %dma_wait3A_160 = tpu.memref_squeeze %dma_wait3A_159 : memref<1x!tpu.dma_semaphore, #tpu.memory_space<semaphore_mem>> -> memref<!tpu.dma_semaphore, #tpu.memory_space<semaphore_mem>>
    %dma_wait3A_161 = arith.constant 0 : i32
    %dma_wait3A_162 = arith.constant 0 : i32
    %dma_wait3A_163 = tpu.memref_slice %arg3[%add3A_38, %dma_wait3A_161, %dma_wait3A_162] : memref<1024x50x300xf32, #tpu.memory_space<hbm>> -> memref<2x50x300xf32, #tpu.memory_space<hbm>>
    tpu.wait_dma2 semaphore(%dma_wait3A_160 : memref<!tpu.dma_semaphore, #tpu.memory_space<semaphore_mem>>) src(%arg5 : memref<2x50x300xf32, #tpu.memory_space<vmem>>) dst(%dma_wait3A_163 : memref<2x50x300xf32, #tpu.memory_space<hbm>>)
    %dma_start3A_164 = arith.constant 1 : i32
    %dma_start3A_165 = arith.constant 0 : i32
    %dma_start3A_166 = arith.constant 0 : i32
    %dma_start3A_167 = tpu.memref_slice %arg2[%add3A_10, %dma_start3A_165, %dma_start3A_166] : memref<1024x50x300xf32, #tpu.memory_space<hbm>> -> memref<2x50x300xf32, #tpu.memory_space<hbm>>
    %dma_start3A_168 = tpu.memref_slice %arg6[%dma_start3A_164] : memref<2x!tpu.dma_semaphore, #tpu.memory_space<semaphore_mem>> -> memref<1x!tpu.dma_semaphore, #tpu.memory_space<semaphore_mem>>
    %dma_start3A_169 = tpu.memref_squeeze %dma_start3A_168 : memref<1x!tpu.dma_semaphore, #tpu.memory_space<semaphore_mem>> -> memref<!tpu.dma_semaphore, #tpu.memory_space<semaphore_mem>>
    %dma_start3A_170 = arith.constant 0 : i32
    %dma_start3A_171 = arith.constant 0 : i32
    %dma_start3A_172 = tpu.memref_slice %arg2[%add3A_10, %dma_start3A_170, %dma_start3A_171] : memref<1024x50x300xf32, #tpu.memory_space<hbm>> -> memref<2x50x300xf32, #tpu.memory_space<hbm>>
    tpu.enqueue_dma source(%dma_start3A_172 : memref<2x50x300xf32, #tpu.memory_space<hbm>>) target(%arg5 : memref<2x50x300xf32, #tpu.memory_space<vmem>>) target_semaphore(%dma_start3A_169 : memref<!tpu.dma_semaphore, #tpu.memory_space<semaphore_mem>>)
    %dma_wait3A_173 = arith.constant 1 : i32
    %dma_wait3A_174 = arith.constant 0 : i32
    %dma_wait3A_175 = arith.constant 0 : i32
    %dma_wait3A_176 = tpu.memref_slice %arg2[%add3A_10, %dma_wait3A_174, %dma_wait3A_175] : memref<1024x50x300xf32, #tpu.memory_space<hbm>> -> memref<2x50x300xf32, #tpu.memory_space<hbm>>
    %dma_wait3A_177 = tpu.memref_slice %arg6[%dma_wait3A_173] : memref<2x!tpu.dma_semaphore, #tpu.memory_space<semaphore_mem>> -> memref<1x!tpu.dma_semaphore, #tpu.memory_space<semaphore_mem>>
    %dma_wait3A_178 = tpu.memref_squeeze %dma_wait3A_177 : memref<1x!tpu.dma_semaphore, #tpu.memory_space<semaphore_mem>> -> memref<!tpu.dma_semaphore, #tpu.memory_space<semaphore_mem>>
    %dma_wait3A_179 = arith.constant 0 : i32
    %dma_wait3A_180 = arith.constant 0 : i32
    %dma_wait3A_181 = tpu.memref_slice %arg2[%add3A_10, %dma_wait3A_179, %dma_wait3A_180] : memref<1024x50x300xf32, #tpu.memory_space<hbm>> -> memref<2x50x300xf32, #tpu.memory_space<hbm>>
    tpu.wait_dma2 semaphore(%dma_wait3A_178 : memref<!tpu.dma_semaphore, #tpu.memory_space<semaphore_mem>>) src(%dma_wait3A_181 : memref<2x50x300xf32, #tpu.memory_space<hbm>>) dst(%arg5 : memref<2x50x300xf32, #tpu.memory_space<vmem>>)
    %dma_start3A_182 = arith.constant 1 : i32
    %dma_start3A_183 = arith.constant 0 : i32
    %dma_start3A_184 = arith.constant 0 : i32
    %dma_start3A_185 = tpu.memref_slice %arg3[%add3A_42, %dma_start3A_183, %dma_start3A_184] : memref<1024x50x300xf32, #tpu.memory_space<hbm>> -> memref<2x50x300xf32, #tpu.memory_space<hbm>>
    %dma_start3A_186 = tpu.memref_slice %arg7[%dma_start3A_182] : memref<2x!tpu.dma_semaphore, #tpu.memory_space<semaphore_mem>> -> memref<1x!tpu.dma_semaphore, #tpu.memory_space<semaphore_mem>>
    %dma_start3A_187 = tpu.memref_squeeze %dma_start3A_186 : memref<1x!tpu.dma_semaphore, #tpu.memory_space<semaphore_mem>> -> memref<!tpu.dma_semaphore, #tpu.memory_space<semaphore_mem>>
    %dma_start3A_188 = arith.constant 0 : i32
    %dma_start3A_189 = arith.constant 0 : i32
    %dma_start3A_190 = tpu.memref_slice %arg3[%add3A_42, %dma_start3A_188, %dma_start3A_189] : memref<1024x50x300xf32, #tpu.memory_space<hbm>> -> memref<2x50x300xf32, #tpu.memory_space<hbm>>
    tpu.enqueue_dma source(%arg5 : memref<2x50x300xf32, #tpu.memory_space<vmem>>) target(%dma_start3A_190 : memref<2x50x300xf32, #tpu.memory_space<hbm>>) target_semaphore(%dma_start3A_187 : memref<!tpu.dma_semaphore, #tpu.memory_space<semaphore_mem>>)
    %dma_wait3A_191 = arith.constant 0 : i32
    %dma_wait3A_192 = arith.constant 0 : i32
    %dma_wait3A_193 = arith.constant 0 : i32
    %dma_wait3A_194 = tpu.memref_slice %arg3[%add3A_40, %dma_wait3A_192, %dma_wait3A_193] : memref<1024x50x300xf32, #tpu.memory_space<hbm>> -> memref<2x50x300xf32, #tpu.memory_space<hbm>>
    %dma_wait3A_195 = tpu.memref_slice %arg7[%dma_wait3A_191] : memref<2x!tpu.dma_semaphore, #tpu.memory_space<semaphore_mem>> -> memref<1x!tpu.dma_semaphore, #tpu.memory_space<semaphore_mem>>
    %dma_wait3A_196 = tpu.memref_squeeze %dma_wait3A_195 : memref<1x!tpu.dma_semaphore, #tpu.memory_space<semaphore_mem>> -> memref<!tpu.dma_semaphore, #tpu.memory_space<semaphore_mem>>
    %dma_wait3A_197 = arith.constant 0 : i32
    %dma_wait3A_198 = arith.constant 0 : i32
    %dma_wait3A_199 = tpu.memref_slice %arg3[%add3A_40, %dma_wait3A_197, %dma_wait3A_198] : memref<1024x50x300xf32, #tpu.memory_space<hbm>> -> memref<2x50x300xf32, #tpu.memory_space<hbm>>
    tpu.wait_dma2 semaphore(%dma_wait3A_196 : memref<!tpu.dma_semaphore, #tpu.memory_space<semaphore_mem>>) src(%arg4 : memref<2x50x300xf32, #tpu.memory_space<vmem>>) dst(%dma_wait3A_199 : memref<2x50x300xf32, #tpu.memory_space<hbm>>)
    %dma_start3A_200 = arith.constant 0 : i32
    %dma_start3A_201 = arith.constant 0 : i32
    %dma_start3A_202 = arith.constant 0 : i32
    %dma_start3A_203 = tpu.memref_slice %arg2[%add3A_12, %dma_start3A_201, %dma_start3A_202] : memref<1024x50x300xf32, #tpu.memory_space<hbm>> -> memref<2x50x300xf32, #tpu.memory_space<hbm>>
    %dma_start3A_204 = tpu.memref_slice %arg6[%dma_start3A_200] : memref<2x!tpu.dma_semaphore, #tpu.memory_space<semaphore_mem>> -> memref<1x!tpu.dma_semaphore, #tpu.memory_space<semaphore_mem>>
    %dma_start3A_205 = tpu.memref_squeeze %dma_start3A_204 : memref<1x!tpu.dma_semaphore, #tpu.memory_space<semaphore_mem>> -> memref<!tpu.dma_semaphore, #tpu.memory_space<semaphore_mem>>
    %dma_start3A_206 = arith.constant 0 : i32
    %dma_start3A_207 = arith.constant 0 : i32
    %dma_start3A_208 = tpu.memref_slice %arg2[%add3A_12, %dma_start3A_206, %dma_start3A_207] : memref<1024x50x300xf32, #tpu.memory_space<hbm>> -> memref<2x50x300xf32, #tpu.memory_space<hbm>>
    tpu.enqueue_dma source(%dma_start3A_208 : memref<2x50x300xf32, #tpu.memory_space<hbm>>) target(%arg4 : memref<2x50x300xf32, #tpu.memory_space<vmem>>) target_semaphore(%dma_start3A_205 : memref<!tpu.dma_semaphore, #tpu.memory_space<semaphore_mem>>)
    %dma_wait3A_209 = arith.constant 0 : i32
    %dma_wait3A_210 = arith.constant 0 : i32
    %dma_wait3A_211 = arith.constant 0 : i32
    %dma_wait3A_212 = tpu.memref_slice %arg2[%add3A_12, %dma_wait3A_210, %dma_wait3A_211] : memref<1024x50x300xf32, #tpu.memory_space<hbm>> -> memref<2x50x300xf32, #tpu.memory_space<hbm>>
    %dma_wait3A_213 = tpu.memref_slice %arg6[%dma_wait3A_209] : memref<2x!tpu.dma_semaphore, #tpu.memory_space<semaphore_mem>> -> memref<1x!tpu.dma_semaphore, #tpu.memory_space<semaphore_mem>>
    %dma_wait3A_214 = tpu.memref_squeeze %dma_wait3A_213 : memref<1x!tpu.dma_semaphore, #tpu.memory_space<semaphore_mem>> -> memref<!tpu.dma_semaphore, #tpu.memory_space<semaphore_mem>>
    %dma_wait3A_215 = arith.constant 0 : i32
    %dma_wait3A_216 = arith.constant 0 : i32
    %dma_wait3A_217 = tpu.memref_slice %arg2[%add3A_12, %dma_wait3A_215, %dma_wait3A_216] : memref<1024x50x300xf32, #tpu.memory_space<hbm>> -> memref<2x50x300xf32, #tpu.memory_space<hbm>>
    tpu.wait_dma2 semaphore(%dma_wait3A_214 : memref<!tpu.dma_semaphore, #tpu.memory_space<semaphore_mem>>) src(%dma_wait3A_217 : memref<2x50x300xf32, #tpu.memory_space<hbm>>) dst(%arg4 : memref<2x50x300xf32, #tpu.memory_space<vmem>>)
    %dma_start3A_218 = arith.constant 0 : i32
    %dma_start3A_219 = arith.constant 0 : i32
    %dma_start3A_220 = arith.constant 0 : i32
    %dma_start3A_221 = tpu.memref_slice %arg3[%add3A_44, %dma_start3A_219, %dma_start3A_220] : memref<1024x50x300xf32, #tpu.memory_space<hbm>> -> memref<2x50x300xf32, #tpu.memory_space<hbm>>
    %dma_start3A_222 = tpu.memref_slice %arg7[%dma_start3A_218] : memref<2x!tpu.dma_semaphore, #tpu.memory_space<semaphore_mem>> -> memref<1x!tpu.dma_semaphore, #tpu.memory_space<semaphore_mem>>
    %dma_start3A_223 = tpu.memref_squeeze %dma_start3A_222 : memref<1x!tpu.dma_semaphore, #tpu.memory_space<semaphore_mem>> -> memref<!tpu.dma_semaphore, #tpu.memory_space<semaphore_mem>>
    %dma_start3A_224 = arith.constant 0 : i32
    %dma_start3A_225 = arith.constant 0 : i32
    %dma_start3A_226 = tpu.memref_slice %arg3[%add3A_44, %dma_start3A_224, %dma_start3A_225] : memref<1024x50x300xf32, #tpu.memory_space<hbm>> -> memref<2x50x300xf32, #tpu.memory_space<hbm>>
    tpu.enqueue_dma source(%arg4 : memref<2x50x300xf32, #tpu.memory_space<vmem>>) target(%dma_start3A_226 : memref<2x50x300xf32, #tpu.memory_space<hbm>>) target_semaphore(%dma_start3A_223 : memref<!tpu.dma_semaphore, #tpu.memory_space<semaphore_mem>>)
    %dma_wait3A_227 = arith.constant 1 : i32
    %dma_wait3A_228 = arith.constant 0 : i32
    %dma_wait3A_229 = arith.constant 0 : i32
    %dma_wait3A_230 = tpu.memref_slice %arg3[%add3A_42, %dma_wait3A_228, %dma_wait3A_229] : memref<1024x50x300xf32, #tpu.memory_space<hbm>> -> memref<2x50x300xf32, #tpu.memory_space<hbm>>
    %dma_wait3A_231 = tpu.memref_slice %arg7[%dma_wait3A_227] : memref<2x!tpu.dma_semaphore, #tpu.memory_space<semaphore_mem>> -> memref<1x!tpu.dma_semaphore, #tpu.memory_space<semaphore_mem>>
    %dma_wait3A_232 = tpu.memref_squeeze %dma_wait3A_231 : memref<1x!tpu.dma_semaphore, #tpu.memory_space<semaphore_mem>> -> memref<!tpu.dma_semaphore, #tpu.memory_space<semaphore_mem>>
    %dma_wait3A_233 = arith.constant 0 : i32
    %dma_wait3A_234 = arith.constant 0 : i32
    %dma_wait3A_235 = tpu.memref_slice %arg3[%add3A_42, %dma_wait3A_233, %dma_wait3A_234] : memref<1024x50x300xf32, #tpu.memory_space<hbm>> -> memref<2x50x300xf32, #tpu.memory_space<hbm>>
    tpu.wait_dma2 semaphore(%dma_wait3A_232 : memref<!tpu.dma_semaphore, #tpu.memory_space<semaphore_mem>>) src(%arg5 : memref<2x50x300xf32, #tpu.memory_space<vmem>>) dst(%dma_wait3A_235 : memref<2x50x300xf32, #tpu.memory_space<hbm>>)
    %dma_start3A_236 = arith.constant 1 : i32
    %dma_start3A_237 = arith.constant 0 : i32
    %dma_start3A_238 = arith.constant 0 : i32
    %dma_start3A_239 = tpu.memref_slice %arg2[%add3A_14, %dma_start3A_237, %dma_start3A_238] : memref<1024x50x300xf32, #tpu.memory_space<hbm>> -> memref<2x50x300xf32, #tpu.memory_space<hbm>>
    %dma_start3A_240 = tpu.memref_slice %arg6[%dma_start3A_236] : memref<2x!tpu.dma_semaphore, #tpu.memory_space<semaphore_mem>> -> memref<1x!tpu.dma_semaphore, #tpu.memory_space<semaphore_mem>>
    %dma_start3A_241 = tpu.memref_squeeze %dma_start3A_240 : memref<1x!tpu.dma_semaphore, #tpu.memory_space<semaphore_mem>> -> memref<!tpu.dma_semaphore, #tpu.memory_space<semaphore_mem>>
    %dma_start3A_242 = arith.constant 0 : i32
    %dma_start3A_243 = arith.constant 0 : i32
    %dma_start3A_244 = tpu.memref_slice %arg2[%add3A_14, %dma_start3A_242, %dma_start3A_243] : memref<1024x50x300xf32, #tpu.memory_space<hbm>> -> memref<2x50x300xf32, #tpu.memory_space<hbm>>
    tpu.enqueue_dma source(%dma_start3A_244 : memref<2x50x300xf32, #tpu.memory_space<hbm>>) target(%arg5 : memref<2x50x300xf32, #tpu.memory_space<vmem>>) target_semaphore(%dma_start3A_241 : memref<!tpu.dma_semaphore, #tpu.memory_space<semaphore_mem>>)
    %dma_wait3A_245 = arith.constant 1 : i32
    %dma_wait3A_246 = arith.constant 0 : i32
    %dma_wait3A_247 = arith.constant 0 : i32
    %dma_wait3A_248 = tpu.memref_slice %arg2[%add3A_14, %dma_wait3A_246, %dma_wait3A_247] : memref<1024x50x300xf32, #tpu.memory_space<hbm>> -> memref<2x50x300xf32, #tpu.memory_space<hbm>>
    %dma_wait3A_249 = tpu.memref_slice %arg6[%dma_wait3A_245] : memref<2x!tpu.dma_semaphore, #tpu.memory_space<semaphore_mem>> -> memref<1x!tpu.dma_semaphore, #tpu.memory_space<semaphore_mem>>
    %dma_wait3A_250 = tpu.memref_squeeze %dma_wait3A_249 : memref<1x!tpu.dma_semaphore, #tpu.memory_space<semaphore_mem>> -> memref<!tpu.dma_semaphore, #tpu.memory_space<semaphore_mem>>
    %dma_wait3A_251 = arith.constant 0 : i32
    %dma_wait3A_252 = arith.constant 0 : i32
    %dma_wait3A_253 = tpu.memref_slice %arg2[%add3A_14, %dma_wait3A_251, %dma_wait3A_252] : memref<1024x50x300xf32, #tpu.memory_space<hbm>> -> memref<2x50x300xf32, #tpu.memory_space<hbm>>
    tpu.wait_dma2 semaphore(%dma_wait3A_250 : memref<!tpu.dma_semaphore, #tpu.memory_space<semaphore_mem>>) src(%dma_wait3A_253 : memref<2x50x300xf32, #tpu.memory_space<hbm>>) dst(%arg5 : memref<2x50x300xf32, #tpu.memory_space<vmem>>)
    %dma_start3A_254 = arith.constant 1 : i32
    %dma_start3A_255 = arith.constant 0 : i32
    %dma_start3A_256 = arith.constant 0 : i32
    %dma_start3A_257 = tpu.memref_slice %arg3[%add3A_46, %dma_start3A_255, %dma_start3A_256] : memref<1024x50x300xf32, #tpu.memory_space<hbm>> -> memref<2x50x300xf32, #tpu.memory_space<hbm>>
    %dma_start3A_258 = tpu.memref_slice %arg7[%dma_start3A_254] : memref<2x!tpu.dma_semaphore, #tpu.memory_space<semaphore_mem>> -> memref<1x!tpu.dma_semaphore, #tpu.memory_space<semaphore_mem>>
    %dma_start3A_259 = tpu.memref_squeeze %dma_start3A_258 : memref<1x!tpu.dma_semaphore, #tpu.memory_space<semaphore_mem>> -> memref<!tpu.dma_semaphore, #tpu.memory_space<semaphore_mem>>
    %dma_start3A_260 = arith.constant 0 : i32
    %dma_start3A_261 = arith.constant 0 : i32
    %dma_start3A_262 = tpu.memref_slice %arg3[%add3A_46, %dma_start3A_260, %dma_start3A_261] : memref<1024x50x300xf32, #tpu.memory_space<hbm>> -> memref<2x50x300xf32, #tpu.memory_space<hbm>>
    tpu.enqueue_dma source(%arg5 : memref<2x50x300xf32, #tpu.memory_space<vmem>>) target(%dma_start3A_262 : memref<2x50x300xf32, #tpu.memory_space<hbm>>) target_semaphore(%dma_start3A_259 : memref<!tpu.dma_semaphore, #tpu.memory_space<semaphore_mem>>)
    %dma_wait3A_263 = arith.constant 0 : i32
    %dma_wait3A_264 = arith.constant 0 : i32
    %dma_wait3A_265 = arith.constant 0 : i32
    %dma_wait3A_266 = tpu.memref_slice %arg3[%add3A_44, %dma_wait3A_264, %dma_wait3A_265] : memref<1024x50x300xf32, #tpu.memory_space<hbm>> -> memref<2x50x300xf32, #tpu.memory_space<hbm>>
    %dma_wait3A_267 = tpu.memref_slice %arg7[%dma_wait3A_263] : memref<2x!tpu.dma_semaphore, #tpu.memory_space<semaphore_mem>> -> memref<1x!tpu.dma_semaphore, #tpu.memory_space<semaphore_mem>>
    %dma_wait3A_268 = tpu.memref_squeeze %dma_wait3A_267 : memref<1x!tpu.dma_semaphore, #tpu.memory_space<semaphore_mem>> -> memref<!tpu.dma_semaphore, #tpu.memory_space<semaphore_mem>>
    %dma_wait3A_269 = arith.constant 0 : i32
    %dma_wait3A_270 = arith.constant 0 : i32
    %dma_wait3A_271 = tpu.memref_slice %arg3[%add3A_44, %dma_wait3A_269, %dma_wait3A_270] : memref<1024x50x300xf32, #tpu.memory_space<hbm>> -> memref<2x50x300xf32, #tpu.memory_space<hbm>>
    tpu.wait_dma2 semaphore(%dma_wait3A_268 : memref<!tpu.dma_semaphore, #tpu.memory_space<semaphore_mem>>) src(%arg4 : memref<2x50x300xf32, #tpu.memory_space<vmem>>) dst(%dma_wait3A_271 : memref<2x50x300xf32, #tpu.memory_space<hbm>>)
    %dma_start3A_272 = arith.constant 0 : i32
    %dma_start3A_273 = arith.constant 0 : i32
    %dma_start3A_274 = arith.constant 0 : i32
    %dma_start3A_275 = tpu.memref_slice %arg2[%add3A_16, %dma_start3A_273, %dma_start3A_274] : memref<1024x50x300xf32, #tpu.memory_space<hbm>> -> memref<2x50x300xf32, #tpu.memory_space<hbm>>
    %dma_start3A_276 = tpu.memref_slice %arg6[%dma_start3A_272] : memref<2x!tpu.dma_semaphore, #tpu.memory_space<semaphore_mem>> -> memref<1x!tpu.dma_semaphore, #tpu.memory_space<semaphore_mem>>
    %dma_start3A_277 = tpu.memref_squeeze %dma_start3A_276 : memref<1x!tpu.dma_semaphore, #tpu.memory_space<semaphore_mem>> -> memref<!tpu.dma_semaphore, #tpu.memory_space<semaphore_mem>>
    %dma_start3A_278 = arith.constant 0 : i32
    %dma_start3A_279 = arith.constant 0 : i32
    %dma_start3A_280 = tpu.memref_slice %arg2[%add3A_16, %dma_start3A_278, %dma_start3A_279] : memref<1024x50x300xf32, #tpu.memory_space<hbm>> -> memref<2x50x300xf32, #tpu.memory_space<hbm>>
    tpu.enqueue_dma source(%dma_start3A_280 : memref<2x50x300xf32, #tpu.memory_space<hbm>>) target(%arg4 : memref<2x50x300xf32, #tpu.memory_space<vmem>>) target_semaphore(%dma_start3A_277 : memref<!tpu.dma_semaphore, #tpu.memory_space<semaphore_mem>>)
    %dma_wait3A_281 = arith.constant 0 : i32
    %dma_wait3A_282 = arith.constant 0 : i32
    %dma_wait3A_283 = arith.constant 0 : i32
    %dma_wait3A_284 = tpu.memref_slice %arg2[%add3A_16, %dma_wait3A_282, %dma_wait3A_283] : memref<1024x50x300xf32, #tpu.memory_space<hbm>> -> memref<2x50x300xf32, #tpu.memory_space<hbm>>
    %dma_wait3A_285 = tpu.memref_slice %arg6[%dma_wait3A_281] : memref<2x!tpu.dma_semaphore, #tpu.memory_space<semaphore_mem>> -> memref<1x!tpu.dma_semaphore, #tpu.memory_space<semaphore_mem>>
    %dma_wait3A_286 = tpu.memref_squeeze %dma_wait3A_285 : memref<1x!tpu.dma_semaphore, #tpu.memory_space<semaphore_mem>> -> memref<!tpu.dma_semaphore, #tpu.memory_space<semaphore_mem>>
    %dma_wait3A_287 = arith.constant 0 : i32
    %dma_wait3A_288 = arith.constant 0 : i32
    %dma_wait3A_289 = tpu.memref_slice %arg2[%add3A_16, %dma_wait3A_287, %dma_wait3A_288] : memref<1024x50x300xf32, #tpu.memory_space<hbm>> -> memref<2x50x300xf32, #tpu.memory_space<hbm>>
    tpu.wait_dma2 semaphore(%dma_wait3A_286 : memref<!tpu.dma_semaphore, #tpu.memory_space<semaphore_mem>>) src(%dma_wait3A_289 : memref<2x50x300xf32, #tpu.memory_space<hbm>>) dst(%arg4 : memref<2x50x300xf32, #tpu.memory_space<vmem>>)
    %dma_start3A_290 = arith.constant 0 : i32
    %dma_start3A_291 = arith.constant 0 : i32
    %dma_start3A_292 = arith.constant 0 : i32
    %dma_start3A_293 = tpu.memref_slice %arg3[%add3A_48, %dma_start3A_291, %dma_start3A_292] : memref<1024x50x300xf32, #tpu.memory_space<hbm>> -> memref<2x50x300xf32, #tpu.memory_space<hbm>>
    %dma_start3A_294 = tpu.memref_slice %arg7[%dma_start3A_290] : memref<2x!tpu.dma_semaphore, #tpu.memory_space<semaphore_mem>> -> memref<1x!tpu.dma_semaphore, #tpu.memory_space<semaphore_mem>>
    %dma_start3A_295 = tpu.memref_squeeze %dma_start3A_294 : memref<1x!tpu.dma_semaphore, #tpu.memory_space<semaphore_mem>> -> memref<!tpu.dma_semaphore, #tpu.memory_space<semaphore_mem>>
    %dma_start3A_296 = arith.constant 0 : i32
    %dma_start3A_297 = arith.constant 0 : i32
    %dma_start3A_298 = tpu.memref_slice %arg3[%add3A_48, %dma_start3A_296, %dma_start3A_297] : memref<1024x50x300xf32, #tpu.memory_space<hbm>> -> memref<2x50x300xf32, #tpu.memory_space<hbm>>
    tpu.enqueue_dma source(%arg4 : memref<2x50x300xf32, #tpu.memory_space<vmem>>) target(%dma_start3A_298 : memref<2x50x300xf32, #tpu.memory_space<hbm>>) target_semaphore(%dma_start3A_295 : memref<!tpu.dma_semaphore, #tpu.memory_space<semaphore_mem>>)
    %dma_wait3A_299 = arith.constant 1 : i32
    %dma_wait3A_300 = arith.constant 0 : i32
    %dma_wait3A_301 = arith.constant 0 : i32
    %dma_wait3A_302 = tpu.memref_slice %arg3[%add3A_46, %dma_wait3A_300, %dma_wait3A_301] : memref<1024x50x300xf32, #tpu.memory_space<hbm>> -> memref<2x50x300xf32, #tpu.memory_space<hbm>>
    %dma_wait3A_303 = tpu.memref_slice %arg7[%dma_wait3A_299] : memref<2x!tpu.dma_semaphore, #tpu.memory_space<semaphore_mem>> -> memref<1x!tpu.dma_semaphore, #tpu.memory_space<semaphore_mem>>
    %dma_wait3A_304 = tpu.memref_squeeze %dma_wait3A_303 : memref<1x!tpu.dma_semaphore, #tpu.memory_space<semaphore_mem>> -> memref<!tpu.dma_semaphore, #tpu.memory_space<semaphore_mem>>
    %dma_wait3A_305 = arith.constant 0 : i32
    %dma_wait3A_306 = arith.constant 0 : i32
    %dma_wait3A_307 = tpu.memref_slice %arg3[%add3A_46, %dma_wait3A_305, %dma_wait3A_306] : memref<1024x50x300xf32, #tpu.memory_space<hbm>> -> memref<2x50x300xf32, #tpu.memory_space<hbm>>
    tpu.wait_dma2 semaphore(%dma_wait3A_304 : memref<!tpu.dma_semaphore, #tpu.memory_space<semaphore_mem>>) src(%arg5 : memref<2x50x300xf32, #tpu.memory_space<vmem>>) dst(%dma_wait3A_307 : memref<2x50x300xf32, #tpu.memory_space<hbm>>)
    %dma_start3A_308 = arith.constant 1 : i32
    %dma_start3A_309 = arith.constant 0 : i32
    %dma_start3A_310 = arith.constant 0 : i32
    %dma_start3A_311 = tpu.memref_slice %arg2[%add3A_18, %dma_start3A_309, %dma_start3A_310] : memref<1024x50x300xf32, #tpu.memory_space<hbm>> -> memref<2x50x300xf32, #tpu.memory_space<hbm>>
    %dma_start3A_312 = tpu.memref_slice %arg6[%dma_start3A_308] : memref<2x!tpu.dma_semaphore, #tpu.memory_space<semaphore_mem>> -> memref<1x!tpu.dma_semaphore, #tpu.memory_space<semaphore_mem>>
    %dma_start3A_313 = tpu.memref_squeeze %dma_start3A_312 : memref<1x!tpu.dma_semaphore, #tpu.memory_space<semaphore_mem>> -> memref<!tpu.dma_semaphore, #tpu.memory_space<semaphore_mem>>
    %dma_start3A_314 = arith.constant 0 : i32
    %dma_start3A_315 = arith.constant 0 : i32
    %dma_start3A_316 = tpu.memref_slice %arg2[%add3A_18, %dma_start3A_314, %dma_start3A_315] : memref<1024x50x300xf32, #tpu.memory_space<hbm>> -> memref<2x50x300xf32, #tpu.memory_space<hbm>>
    tpu.enqueue_dma source(%dma_start3A_316 : memref<2x50x300xf32, #tpu.memory_space<hbm>>) target(%arg5 : memref<2x50x300xf32, #tpu.memory_space<vmem>>) target_semaphore(%dma_start3A_313 : memref<!tpu.dma_semaphore, #tpu.memory_space<semaphore_mem>>)
    %dma_wait3A_317 = arith.constant 1 : i32
    %dma_wait3A_318 = arith.constant 0 : i32
    %dma_wait3A_319 = arith.constant 0 : i32
    %dma_wait3A_320 = tpu.memref_slice %arg2[%add3A_18, %dma_wait3A_318, %dma_wait3A_319] : memref<1024x50x300xf32, #tpu.memory_space<hbm>> -> memref<2x50x300xf32, #tpu.memory_space<hbm>>
    %dma_wait3A_321 = tpu.memref_slice %arg6[%dma_wait3A_317] : memref<2x!tpu.dma_semaphore, #tpu.memory_space<semaphore_mem>> -> memref<1x!tpu.dma_semaphore, #tpu.memory_space<semaphore_mem>>
    %dma_wait3A_322 = tpu.memref_squeeze %dma_wait3A_321 : memref<1x!tpu.dma_semaphore, #tpu.memory_space<semaphore_mem>> -> memref<!tpu.dma_semaphore, #tpu.memory_space<semaphore_mem>>
    %dma_wait3A_323 = arith.constant 0 : i32
    %dma_wait3A_324 = arith.constant 0 : i32
    %dma_wait3A_325 = tpu.memref_slice %arg2[%add3A_18, %dma_wait3A_323, %dma_wait3A_324] : memref<1024x50x300xf32, #tpu.memory_space<hbm>> -> memref<2x50x300xf32, #tpu.memory_space<hbm>>
    tpu.wait_dma2 semaphore(%dma_wait3A_322 : memref<!tpu.dma_semaphore, #tpu.memory_space<semaphore_mem>>) src(%dma_wait3A_325 : memref<2x50x300xf32, #tpu.memory_space<hbm>>) dst(%arg5 : memref<2x50x300xf32, #tpu.memory_space<vmem>>)
    %dma_start3A_326 = arith.constant 1 : i32
    %dma_start3A_327 = arith.constant 0 : i32
    %dma_start3A_328 = arith.constant 0 : i32
    %dma_start3A_329 = tpu.memref_slice %arg3[%add3A_50, %dma_start3A_327, %dma_start3A_328] : memref<1024x50x300xf32, #tpu.memory_space<hbm>> -> memref<2x50x300xf32, #tpu.memory_space<hbm>>
    %dma_start3A_330 = tpu.memref_slice %arg7[%dma_start3A_326] : memref<2x!tpu.dma_semaphore, #tpu.memory_space<semaphore_mem>> -> memref<1x!tpu.dma_semaphore, #tpu.memory_space<semaphore_mem>>
    %dma_start3A_331 = tpu.memref_squeeze %dma_start3A_330 : memref<1x!tpu.dma_semaphore, #tpu.memory_space<semaphore_mem>> -> memref<!tpu.dma_semaphore, #tpu.memory_space<semaphore_mem>>
    %dma_start3A_332 = arith.constant 0 : i32
    %dma_start3A_333 = arith.constant 0 : i32
    %dma_start3A_334 = tpu.memref_slice %arg3[%add3A_50, %dma_start3A_332, %dma_start3A_333] : memref<1024x50x300xf32, #tpu.memory_space<hbm>> -> memref<2x50x300xf32, #tpu.memory_space<hbm>>
    tpu.enqueue_dma source(%arg5 : memref<2x50x300xf32, #tpu.memory_space<vmem>>) target(%dma_start3A_334 : memref<2x50x300xf32, #tpu.memory_space<hbm>>) target_semaphore(%dma_start3A_331 : memref<!tpu.dma_semaphore, #tpu.memory_space<semaphore_mem>>)
    %dma_wait3A_335 = arith.constant 0 : i32
    %dma_wait3A_336 = arith.constant 0 : i32
    %dma_wait3A_337 = arith.constant 0 : i32
    %dma_wait3A_338 = tpu.memref_slice %arg3[%add3A_48, %dma_wait3A_336, %dma_wait3A_337] : memref<1024x50x300xf32, #tpu.memory_space<hbm>> -> memref<2x50x300xf32, #tpu.memory_space<hbm>>
    %dma_wait3A_339 = tpu.memref_slice %arg7[%dma_wait3A_335] : memref<2x!tpu.dma_semaphore, #tpu.memory_space<semaphore_mem>> -> memref<1x!tpu.dma_semaphore, #tpu.memory_space<semaphore_mem>>
    %dma_wait3A_340 = tpu.memref_squeeze %dma_wait3A_339 : memref<1x!tpu.dma_semaphore, #tpu.memory_space<semaphore_mem>> -> memref<!tpu.dma_semaphore, #tpu.memory_space<semaphore_mem>>
    %dma_wait3A_341 = arith.constant 0 : i32
    %dma_wait3A_342 = arith.constant 0 : i32
    %dma_wait3A_343 = tpu.memref_slice %arg3[%add3A_48, %dma_wait3A_341, %dma_wait3A_342] : memref<1024x50x300xf32, #tpu.memory_space<hbm>> -> memref<2x50x300xf32, #tpu.memory_space<hbm>>
    tpu.wait_dma2 semaphore(%dma_wait3A_340 : memref<!tpu.dma_semaphore, #tpu.memory_space<semaphore_mem>>) src(%arg4 : memref<2x50x300xf32, #tpu.memory_space<vmem>>) dst(%dma_wait3A_343 : memref<2x50x300xf32, #tpu.memory_space<hbm>>)
    %dma_start3A_344 = arith.constant 0 : i32
    %dma_start3A_345 = arith.constant 0 : i32
    %dma_start3A_346 = arith.constant 0 : i32
    %dma_start3A_347 = tpu.memref_slice %arg2[%add3A_20, %dma_start3A_345, %dma_start3A_346] : memref<1024x50x300xf32, #tpu.memory_space<hbm>> -> memref<2x50x300xf32, #tpu.memory_space<hbm>>
    %dma_start3A_348 = tpu.memref_slice %arg6[%dma_start3A_344] : memref<2x!tpu.dma_semaphore, #tpu.memory_space<semaphore_mem>> -> memref<1x!tpu.dma_semaphore, #tpu.memory_space<semaphore_mem>>
    %dma_start3A_349 = tpu.memref_squeeze %dma_start3A_348 : memref<1x!tpu.dma_semaphore, #tpu.memory_space<semaphore_mem>> -> memref<!tpu.dma_semaphore, #tpu.memory_space<semaphore_mem>>
    %dma_start3A_350 = arith.constant 0 : i32
    %dma_start3A_351 = arith.constant 0 : i32
    %dma_start3A_352 = tpu.memref_slice %arg2[%add3A_20, %dma_start3A_350, %dma_start3A_351] : memref<1024x50x300xf32, #tpu.memory_space<hbm>> -> memref<2x50x300xf32, #tpu.memory_space<hbm>>
    tpu.enqueue_dma source(%dma_start3A_352 : memref<2x50x300xf32, #tpu.memory_space<hbm>>) target(%arg4 : memref<2x50x300xf32, #tpu.memory_space<vmem>>) target_semaphore(%dma_start3A_349 : memref<!tpu.dma_semaphore, #tpu.memory_space<semaphore_mem>>)
    %dma_wait3A_353 = arith.constant 0 : i32
    %dma_wait3A_354 = arith.constant 0 : i32
    %dma_wait3A_355 = arith.constant 0 : i32
    %dma_wait3A_356 = tpu.memref_slice %arg2[%add3A_20, %dma_wait3A_354, %dma_wait3A_355] : memref<1024x50x300xf32, #tpu.memory_space<hbm>> -> memref<2x50x300xf32, #tpu.memory_space<hbm>>
    %dma_wait3A_357 = tpu.memref_slice %arg6[%dma_wait3A_353] : memref<2x!tpu.dma_semaphore, #tpu.memory_space<semaphore_mem>> -> memref<1x!tpu.dma_semaphore, #tpu.memory_space<semaphore_mem>>
    %dma_wait3A_358 = tpu.memref_squeeze %dma_wait3A_357 : memref<1x!tpu.dma_semaphore, #tpu.memory_space<semaphore_mem>> -> memref<!tpu.dma_semaphore, #tpu.memory_space<semaphore_mem>>
    %dma_wait3A_359 = arith.constant 0 : i32
    %dma_wait3A_360 = arith.constant 0 : i32
    %dma_wait3A_361 = tpu.memref_slice %arg2[%add3A_20, %dma_wait3A_359, %dma_wait3A_360] : memref<1024x50x300xf32, #tpu.memory_space<hbm>> -> memref<2x50x300xf32, #tpu.memory_space<hbm>>
    tpu.wait_dma2 semaphore(%dma_wait3A_358 : memref<!tpu.dma_semaphore, #tpu.memory_space<semaphore_mem>>) src(%dma_wait3A_361 : memref<2x50x300xf32, #tpu.memory_space<hbm>>) dst(%arg4 : memref<2x50x300xf32, #tpu.memory_space<vmem>>)
    %dma_start3A_362 = arith.constant 0 : i32
    %dma_start3A_363 = arith.constant 0 : i32
    %dma_start3A_364 = arith.constant 0 : i32
    %dma_start3A_365 = tpu.memref_slice %arg3[%add3A_52, %dma_start3A_363, %dma_start3A_364] : memref<1024x50x300xf32, #tpu.memory_space<hbm>> -> memref<2x50x300xf32, #tpu.memory_space<hbm>>
    %dma_start3A_366 = tpu.memref_slice %arg7[%dma_start3A_362] : memref<2x!tpu.dma_semaphore, #tpu.memory_space<semaphore_mem>> -> memref<1x!tpu.dma_semaphore, #tpu.memory_space<semaphore_mem>>
    %dma_start3A_367 = tpu.memref_squeeze %dma_start3A_366 : memref<1x!tpu.dma_semaphore, #tpu.memory_space<semaphore_mem>> -> memref<!tpu.dma_semaphore, #tpu.memory_space<semaphore_mem>>
    %dma_start3A_368 = arith.constant 0 : i32
    %dma_start3A_369 = arith.constant 0 : i32
    %dma_start3A_370 = tpu.memref_slice %arg3[%add3A_52, %dma_start3A_368, %dma_start3A_369] : memref<1024x50x300xf32, #tpu.memory_space<hbm>> -> memref<2x50x300xf32, #tpu.memory_space<hbm>>
    tpu.enqueue_dma source(%arg4 : memref<2x50x300xf32, #tpu.memory_space<vmem>>) target(%dma_start3A_370 : memref<2x50x300xf32, #tpu.memory_space<hbm>>) target_semaphore(%dma_start3A_367 : memref<!tpu.dma_semaphore, #tpu.memory_space<semaphore_mem>>)
    %dma_wait3A_371 = arith.constant 1 : i32
    %dma_wait3A_372 = arith.constant 0 : i32
    %dma_wait3A_373 = arith.constant 0 : i32
    %dma_wait3A_374 = tpu.memref_slice %arg3[%add3A_50, %dma_wait3A_372, %dma_wait3A_373] : memref<1024x50x300xf32, #tpu.memory_space<hbm>> -> memref<2x50x300xf32, #tpu.memory_space<hbm>>
    %dma_wait3A_375 = tpu.memref_slice %arg7[%dma_wait3A_371] : memref<2x!tpu.dma_semaphore, #tpu.memory_space<semaphore_mem>> -> memref<1x!tpu.dma_semaphore, #tpu.memory_space<semaphore_mem>>
    %dma_wait3A_376 = tpu.memref_squeeze %dma_wait3A_375 : memref<1x!tpu.dma_semaphore, #tpu.memory_space<semaphore_mem>> -> memref<!tpu.dma_semaphore, #tpu.memory_space<semaphore_mem>>
    %dma_wait3A_377 = arith.constant 0 : i32
    %dma_wait3A_378 = arith.constant 0 : i32
    %dma_wait3A_379 = tpu.memref_slice %arg3[%add3A_50, %dma_wait3A_377, %dma_wait3A_378] : memref<1024x50x300xf32, #tpu.memory_space<hbm>> -> memref<2x50x300xf32, #tpu.memory_space<hbm>>
    tpu.wait_dma2 semaphore(%dma_wait3A_376 : memref<!tpu.dma_semaphore, #tpu.memory_space<semaphore_mem>>) src(%arg5 : memref<2x50x300xf32, #tpu.memory_space<vmem>>) dst(%dma_wait3A_379 : memref<2x50x300xf32, #tpu.memory_space<hbm>>)
    %dma_start3A_380 = arith.constant 1 : i32
    %dma_start3A_381 = arith.constant 0 : i32
    %dma_start3A_382 = arith.constant 0 : i32
    %dma_start3A_383 = tpu.memref_slice %arg2[%add3A_22, %dma_start3A_381, %dma_start3A_382] : memref<1024x50x300xf32, #tpu.memory_space<hbm>> -> memref<2x50x300xf32, #tpu.memory_space<hbm>>
    %dma_start3A_384 = tpu.memref_slice %arg6[%dma_start3A_380] : memref<2x!tpu.dma_semaphore, #tpu.memory_space<semaphore_mem>> -> memref<1x!tpu.dma_semaphore, #tpu.memory_space<semaphore_mem>>
    %dma_start3A_385 = tpu.memref_squeeze %dma_start3A_384 : memref<1x!tpu.dma_semaphore, #tpu.memory_space<semaphore_mem>> -> memref<!tpu.dma_semaphore, #tpu.memory_space<semaphore_mem>>
    %dma_start3A_386 = arith.constant 0 : i32
    %dma_start3A_387 = arith.constant 0 : i32
    %dma_start3A_388 = tpu.memref_slice %arg2[%add3A_22, %dma_start3A_386, %dma_start3A_387] : memref<1024x50x300xf32, #tpu.memory_space<hbm>> -> memref<2x50x300xf32, #tpu.memory_space<hbm>>
    tpu.enqueue_dma source(%dma_start3A_388 : memref<2x50x300xf32, #tpu.memory_space<hbm>>) target(%arg5 : memref<2x50x300xf32, #tpu.memory_space<vmem>>) target_semaphore(%dma_start3A_385 : memref<!tpu.dma_semaphore, #tpu.memory_space<semaphore_mem>>)
    %dma_wait3A_389 = arith.constant 1 : i32
    %dma_wait3A_390 = arith.constant 0 : i32
    %dma_wait3A_391 = arith.constant 0 : i32
    %dma_wait3A_392 = tpu.memref_slice %arg2[%add3A_22, %dma_wait3A_390, %dma_wait3A_391] : memref<1024x50x300xf32, #tpu.memory_space<hbm>> -> memref<2x50x300xf32, #tpu.memory_space<hbm>>
    %dma_wait3A_393 = tpu.memref_slice %arg6[%dma_wait3A_389] : memref<2x!tpu.dma_semaphore, #tpu.memory_space<semaphore_mem>> -> memref<1x!tpu.dma_semaphore, #tpu.memory_space<semaphore_mem>>
    %dma_wait3A_394 = tpu.memref_squeeze %dma_wait3A_393 : memref<1x!tpu.dma_semaphore, #tpu.memory_space<semaphore_mem>> -> memref<!tpu.dma_semaphore, #tpu.memory_space<semaphore_mem>>
    %dma_wait3A_395 = arith.constant 0 : i32
    %dma_wait3A_396 = arith.constant 0 : i32
    %dma_wait3A_397 = tpu.memref_slice %arg2[%add3A_22, %dma_wait3A_395, %dma_wait3A_396] : memref<1024x50x300xf32, #tpu.memory_space<hbm>> -> memref<2x50x300xf32, #tpu.memory_space<hbm>>
    tpu.wait_dma2 semaphore(%dma_wait3A_394 : memref<!tpu.dma_semaphore, #tpu.memory_space<semaphore_mem>>) src(%dma_wait3A_397 : memref<2x50x300xf32, #tpu.memory_space<hbm>>) dst(%arg5 : memref<2x50x300xf32, #tpu.memory_space<vmem>>)
    %dma_start3A_398 = arith.constant 1 : i32
    %dma_start3A_399 = arith.constant 0 : i32
    %dma_start3A_400 = arith.constant 0 : i32
    %dma_start3A_401 = tpu.memref_slice %arg3[%add3A_54, %dma_start3A_399, %dma_start3A_400] : memref<1024x50x300xf32, #tpu.memory_space<hbm>> -> memref<2x50x300xf32, #tpu.memory_space<hbm>>
    %dma_start3A_402 = tpu.memref_slice %arg7[%dma_start3A_398] : memref<2x!tpu.dma_semaphore, #tpu.memory_space<semaphore_mem>> -> memref<1x!tpu.dma_semaphore, #tpu.memory_space<semaphore_mem>>
    %dma_start3A_403 = tpu.memref_squeeze %dma_start3A_402 : memref<1x!tpu.dma_semaphore, #tpu.memory_space<semaphore_mem>> -> memref<!tpu.dma_semaphore, #tpu.memory_space<semaphore_mem>>
    %dma_start3A_404 = arith.constant 0 : i32
    %dma_start3A_405 = arith.constant 0 : i32
    %dma_start3A_406 = tpu.memref_slice %arg3[%add3A_54, %dma_start3A_404, %dma_start3A_405] : memref<1024x50x300xf32, #tpu.memory_space<hbm>> -> memref<2x50x300xf32, #tpu.memory_space<hbm>>
    tpu.enqueue_dma source(%arg5 : memref<2x50x300xf32, #tpu.memory_space<vmem>>) target(%dma_start3A_406 : memref<2x50x300xf32, #tpu.memory_space<hbm>>) target_semaphore(%dma_start3A_403 : memref<!tpu.dma_semaphore, #tpu.memory_space<semaphore_mem>>)
    %dma_wait3A_407 = arith.constant 0 : i32
    %dma_wait3A_408 = arith.constant 0 : i32
    %dma_wait3A_409 = arith.constant 0 : i32
    %dma_wait3A_410 = tpu.memref_slice %arg3[%add3A_52, %dma_wait3A_408, %dma_wait3A_409] : memref<1024x50x300xf32, #tpu.memory_space<hbm>> -> memref<2x50x300xf32, #tpu.memory_space<hbm>>
    %dma_wait3A_411 = tpu.memref_slice %arg7[%dma_wait3A_407] : memref<2x!tpu.dma_semaphore, #tpu.memory_space<semaphore_mem>> -> memref<1x!tpu.dma_semaphore, #tpu.memory_space<semaphore_mem>>
    %dma_wait3A_412 = tpu.memref_squeeze %dma_wait3A_411 : memref<1x!tpu.dma_semaphore, #tpu.memory_space<semaphore_mem>> -> memref<!tpu.dma_semaphore, #tpu.memory_space<semaphore_mem>>
    %dma_wait3A_413 = arith.constant 0 : i32
    %dma_wait3A_414 = arith.constant 0 : i32
    %dma_wait3A_415 = tpu.memref_slice %arg3[%add3A_52, %dma_wait3A_413, %dma_wait3A_414] : memref<1024x50x300xf32, #tpu.memory_space<hbm>> -> memref<2x50x300xf32, #tpu.memory_space<hbm>>
    tpu.wait_dma2 semaphore(%dma_wait3A_412 : memref<!tpu.dma_semaphore, #tpu.memory_space<semaphore_mem>>) src(%arg4 : memref<2x50x300xf32, #tpu.memory_space<vmem>>) dst(%dma_wait3A_415 : memref<2x50x300xf32, #tpu.memory_space<hbm>>)
    %dma_start3A_416 = arith.constant 0 : i32
    %dma_start3A_417 = arith.constant 0 : i32
    %dma_start3A_418 = arith.constant 0 : i32
    %dma_start3A_419 = tpu.memref_slice %arg2[%add3A_24, %dma_start3A_417, %dma_start3A_418] : memref<1024x50x300xf32, #tpu.memory_space<hbm>> -> memref<2x50x300xf32, #tpu.memory_space<hbm>>
    %dma_start3A_420 = tpu.memref_slice %arg6[%dma_start3A_416] : memref<2x!tpu.dma_semaphore, #tpu.memory_space<semaphore_mem>> -> memref<1x!tpu.dma_semaphore, #tpu.memory_space<semaphore_mem>>
    %dma_start3A_421 = tpu.memref_squeeze %dma_start3A_420 : memref<1x!tpu.dma_semaphore, #tpu.memory_space<semaphore_mem>> -> memref<!tpu.dma_semaphore, #tpu.memory_space<semaphore_mem>>
    %dma_start3A_422 = arith.constant 0 : i32
    %dma_start3A_423 = arith.constant 0 : i32
    %dma_start3A_424 = tpu.memref_slice %arg2[%add3A_24, %dma_start3A_422, %dma_start3A_423] : memref<1024x50x300xf32, #tpu.memory_space<hbm>> -> memref<2x50x300xf32, #tpu.memory_space<hbm>>
    tpu.enqueue_dma source(%dma_start3A_424 : memref<2x50x300xf32, #tpu.memory_space<hbm>>) target(%arg4 : memref<2x50x300xf32, #tpu.memory_space<vmem>>) target_semaphore(%dma_start3A_421 : memref<!tpu.dma_semaphore, #tpu.memory_space<semaphore_mem>>)
    %dma_wait3A_425 = arith.constant 0 : i32
    %dma_wait3A_426 = arith.constant 0 : i32
    %dma_wait3A_427 = arith.constant 0 : i32
    %dma_wait3A_428 = tpu.memref_slice %arg2[%add3A_24, %dma_wait3A_426, %dma_wait3A_427] : memref<1024x50x300xf32, #tpu.memory_space<hbm>> -> memref<2x50x300xf32, #tpu.memory_space<hbm>>
    %dma_wait3A_429 = tpu.memref_slice %arg6[%dma_wait3A_425] : memref<2x!tpu.dma_semaphore, #tpu.memory_space<semaphore_mem>> -> memref<1x!tpu.dma_semaphore, #tpu.memory_space<semaphore_mem>>
    %dma_wait3A_430 = tpu.memref_squeeze %dma_wait3A_429 : memref<1x!tpu.dma_semaphore, #tpu.memory_space<semaphore_mem>> -> memref<!tpu.dma_semaphore, #tpu.memory_space<semaphore_mem>>
    %dma_wait3A_431 = arith.constant 0 : i32
    %dma_wait3A_432 = arith.constant 0 : i32
    %dma_wait3A_433 = tpu.memref_slice %arg2[%add3A_24, %dma_wait3A_431, %dma_wait3A_432] : memref<1024x50x300xf32, #tpu.memory_space<hbm>> -> memref<2x50x300xf32, #tpu.memory_space<hbm>>
    tpu.wait_dma2 semaphore(%dma_wait3A_430 : memref<!tpu.dma_semaphore, #tpu.memory_space<semaphore_mem>>) src(%dma_wait3A_433 : memref<2x50x300xf32, #tpu.memory_space<hbm>>) dst(%arg4 : memref<2x50x300xf32, #tpu.memory_space<vmem>>)
    %dma_start3A_434 = arith.constant 0 : i32
    %dma_start3A_435 = arith.constant 0 : i32
    %dma_start3A_436 = arith.constant 0 : i32
    %dma_start3A_437 = tpu.memref_slice %arg3[%add3A_56, %dma_start3A_435, %dma_start3A_436] : memref<1024x50x300xf32, #tpu.memory_space<hbm>> -> memref<2x50x300xf32, #tpu.memory_space<hbm>>
    %dma_start3A_438 = tpu.memref_slice %arg7[%dma_start3A_434] : memref<2x!tpu.dma_semaphore, #tpu.memory_space<semaphore_mem>> -> memref<1x!tpu.dma_semaphore, #tpu.memory_space<semaphore_mem>>
    %dma_start3A_439 = tpu.memref_squeeze %dma_start3A_438 : memref<1x!tpu.dma_semaphore, #tpu.memory_space<semaphore_mem>> -> memref<!tpu.dma_semaphore, #tpu.memory_space<semaphore_mem>>
    %dma_start3A_440 = arith.constant 0 : i32
    %dma_start3A_441 = arith.constant 0 : i32
    %dma_start3A_442 = tpu.memref_slice %arg3[%add3A_56, %dma_start3A_440, %dma_start3A_441] : memref<1024x50x300xf32, #tpu.memory_space<hbm>> -> memref<2x50x300xf32, #tpu.memory_space<hbm>>
    tpu.enqueue_dma source(%arg4 : memref<2x50x300xf32, #tpu.memory_space<vmem>>) target(%dma_start3A_442 : memref<2x50x300xf32, #tpu.memory_space<hbm>>) target_semaphore(%dma_start3A_439 : memref<!tpu.dma_semaphore, #tpu.memory_space<semaphore_mem>>)
    %dma_wait3A_443 = arith.constant 1 : i32
    %dma_wait3A_444 = arith.constant 0 : i32
    %dma_wait3A_445 = arith.constant 0 : i32
    %dma_wait3A_446 = tpu.memref_slice %arg3[%add3A_54, %dma_wait3A_444, %dma_wait3A_445] : memref<1024x50x300xf32, #tpu.memory_space<hbm>> -> memref<2x50x300xf32, #tpu.memory_space<hbm>>
    %dma_wait3A_447 = tpu.memref_slice %arg7[%dma_wait3A_443] : memref<2x!tpu.dma_semaphore, #tpu.memory_space<semaphore_mem>> -> memref<1x!tpu.dma_semaphore, #tpu.memory_space<semaphore_mem>>
    %dma_wait3A_448 = tpu.memref_squeeze %dma_wait3A_447 : memref<1x!tpu.dma_semaphore, #tpu.memory_space<semaphore_mem>> -> memref<!tpu.dma_semaphore, #tpu.memory_space<semaphore_mem>>
    %dma_wait3A_449 = arith.constant 0 : i32
    %dma_wait3A_450 = arith.constant 0 : i32
    %dma_wait3A_451 = tpu.memref_slice %arg3[%add3A_54, %dma_wait3A_449, %dma_wait3A_450] : memref<1024x50x300xf32, #tpu.memory_space<hbm>> -> memref<2x50x300xf32, #tpu.memory_space<hbm>>
    tpu.wait_dma2 semaphore(%dma_wait3A_448 : memref<!tpu.dma_semaphore, #tpu.memory_space<semaphore_mem>>) src(%arg5 : memref<2x50x300xf32, #tpu.memory_space<vmem>>) dst(%dma_wait3A_451 : memref<2x50x300xf32, #tpu.memory_space<hbm>>)
    %dma_start3A_452 = arith.constant 1 : i32
    %dma_start3A_453 = arith.constant 0 : i32
    %dma_start3A_454 = arith.constant 0 : i32
    %dma_start3A_455 = tpu.memref_slice %arg2[%add3A_26, %dma_start3A_453, %dma_start3A_454] : memref<1024x50x300xf32, #tpu.memory_space<hbm>> -> memref<2x50x300xf32, #tpu.memory_space<hbm>>
    %dma_start3A_456 = tpu.memref_slice %arg6[%dma_start3A_452] : memref<2x!tpu.dma_semaphore, #tpu.memory_space<semaphore_mem>> -> memref<1x!tpu.dma_semaphore, #tpu.memory_space<semaphore_mem>>
    %dma_start3A_457 = tpu.memref_squeeze %dma_start3A_456 : memref<1x!tpu.dma_semaphore, #tpu.memory_space<semaphore_mem>> -> memref<!tpu.dma_semaphore, #tpu.memory_space<semaphore_mem>>
    %dma_start3A_458 = arith.constant 0 : i32
    %dma_start3A_459 = arith.constant 0 : i32
    %dma_start3A_460 = tpu.memref_slice %arg2[%add3A_26, %dma_start3A_458, %dma_start3A_459] : memref<1024x50x300xf32, #tpu.memory_space<hbm>> -> memref<2x50x300xf32, #tpu.memory_space<hbm>>
    tpu.enqueue_dma source(%dma_start3A_460 : memref<2x50x300xf32, #tpu.memory_space<hbm>>) target(%arg5 : memref<2x50x300xf32, #tpu.memory_space<vmem>>) target_semaphore(%dma_start3A_457 : memref<!tpu.dma_semaphore, #tpu.memory_space<semaphore_mem>>)
    %dma_wait3A_461 = arith.constant 1 : i32
    %dma_wait3A_462 = arith.constant 0 : i32
    %dma_wait3A_463 = arith.constant 0 : i32
    %dma_wait3A_464 = tpu.memref_slice %arg2[%add3A_26, %dma_wait3A_462, %dma_wait3A_463] : memref<1024x50x300xf32, #tpu.memory_space<hbm>> -> memref<2x50x300xf32, #tpu.memory_space<hbm>>
    %dma_wait3A_465 = tpu.memref_slice %arg6[%dma_wait3A_461] : memref<2x!tpu.dma_semaphore, #tpu.memory_space<semaphore_mem>> -> memref<1x!tpu.dma_semaphore, #tpu.memory_space<semaphore_mem>>
    %dma_wait3A_466 = tpu.memref_squeeze %dma_wait3A_465 : memref<1x!tpu.dma_semaphore, #tpu.memory_space<semaphore_mem>> -> memref<!tpu.dma_semaphore, #tpu.memory_space<semaphore_mem>>
    %dma_wait3A_467 = arith.constant 0 : i32
    %dma_wait3A_468 = arith.constant 0 : i32
    %dma_wait3A_469 = tpu.memref_slice %arg2[%add3A_26, %dma_wait3A_467, %dma_wait3A_468] : memref<1024x50x300xf32, #tpu.memory_space<hbm>> -> memref<2x50x300xf32, #tpu.memory_space<hbm>>
    tpu.wait_dma2 semaphore(%dma_wait3A_466 : memref<!tpu.dma_semaphore, #tpu.memory_space<semaphore_mem>>) src(%dma_wait3A_469 : memref<2x50x300xf32, #tpu.memory_space<hbm>>) dst(%arg5 : memref<2x50x300xf32, #tpu.memory_space<vmem>>)
    %dma_start3A_470 = arith.constant 1 : i32
    %dma_start3A_471 = arith.constant 0 : i32
    %dma_start3A_472 = arith.constant 0 : i32
    %dma_start3A_473 = tpu.memref_slice %arg3[%add3A_58, %dma_start3A_471, %dma_start3A_472] : memref<1024x50x300xf32, #tpu.memory_space<hbm>> -> memref<2x50x300xf32, #tpu.memory_space<hbm>>
    %dma_start3A_474 = tpu.memref_slice %arg7[%dma_start3A_470] : memref<2x!tpu.dma_semaphore, #tpu.memory_space<semaphore_mem>> -> memref<1x!tpu.dma_semaphore, #tpu.memory_space<semaphore_mem>>
    %dma_start3A_475 = tpu.memref_squeeze %dma_start3A_474 : memref<1x!tpu.dma_semaphore, #tpu.memory_space<semaphore_mem>> -> memref<!tpu.dma_semaphore, #tpu.memory_space<semaphore_mem>>
    %dma_start3A_476 = arith.constant 0 : i32
    %dma_start3A_477 = arith.constant 0 : i32
    %dma_start3A_478 = tpu.memref_slice %arg3[%add3A_58, %dma_start3A_476, %dma_start3A_477] : memref<1024x50x300xf32, #tpu.memory_space<hbm>> -> memref<2x50x300xf32, #tpu.memory_space<hbm>>
    tpu.enqueue_dma source(%arg5 : memref<2x50x300xf32, #tpu.memory_space<vmem>>) target(%dma_start3A_478 : memref<2x50x300xf32, #tpu.memory_space<hbm>>) target_semaphore(%dma_start3A_475 : memref<!tpu.dma_semaphore, #tpu.memory_space<semaphore_mem>>)
    %dma_wait3A_479 = arith.constant 0 : i32
    %dma_wait3A_480 = arith.constant 0 : i32
    %dma_wait3A_481 = arith.constant 0 : i32
    %dma_wait3A_482 = tpu.memref_slice %arg3[%add3A_56, %dma_wait3A_480, %dma_wait3A_481] : memref<1024x50x300xf32, #tpu.memory_space<hbm>> -> memref<2x50x300xf32, #tpu.memory_space<hbm>>
    %dma_wait3A_483 = tpu.memref_slice %arg7[%dma_wait3A_479] : memref<2x!tpu.dma_semaphore, #tpu.memory_space<semaphore_mem>> -> memref<1x!tpu.dma_semaphore, #tpu.memory_space<semaphore_mem>>
    %dma_wait3A_484 = tpu.memref_squeeze %dma_wait3A_483 : memref<1x!tpu.dma_semaphore, #tpu.memory_space<semaphore_mem>> -> memref<!tpu.dma_semaphore, #tpu.memory_space<semaphore_mem>>
    %dma_wait3A_485 = arith.constant 0 : i32
    %dma_wait3A_486 = arith.constant 0 : i32
    %dma_wait3A_487 = tpu.memref_slice %arg3[%add3A_56, %dma_wait3A_485, %dma_wait3A_486] : memref<1024x50x300xf32, #tpu.memory_space<hbm>> -> memref<2x50x300xf32, #tpu.memory_space<hbm>>
    tpu.wait_dma2 semaphore(%dma_wait3A_484 : memref<!tpu.dma_semaphore, #tpu.memory_space<semaphore_mem>>) src(%arg4 : memref<2x50x300xf32, #tpu.memory_space<vmem>>) dst(%dma_wait3A_487 : memref<2x50x300xf32, #tpu.memory_space<hbm>>)
    %dma_start3A_488 = arith.constant 0 : i32
    %dma_start3A_489 = arith.constant 0 : i32
    %dma_start3A_490 = arith.constant 0 : i32
    %dma_start3A_491 = tpu.memref_slice %arg2[%add3A_28, %dma_start3A_489, %dma_start3A_490] : memref<1024x50x300xf32, #tpu.memory_space<hbm>> -> memref<2x50x300xf32, #tpu.memory_space<hbm>>
    %dma_start3A_492 = tpu.memref_slice %arg6[%dma_start3A_488] : memref<2x!tpu.dma_semaphore, #tpu.memory_space<semaphore_mem>> -> memref<1x!tpu.dma_semaphore, #tpu.memory_space<semaphore_mem>>
    %dma_start3A_493 = tpu.memref_squeeze %dma_start3A_492 : memref<1x!tpu.dma_semaphore, #tpu.memory_space<semaphore_mem>> -> memref<!tpu.dma_semaphore, #tpu.memory_space<semaphore_mem>>
    %dma_start3A_494 = arith.constant 0 : i32
    %dma_start3A_495 = arith.constant 0 : i32
    %dma_start3A_496 = tpu.memref_slice %arg2[%add3A_28, %dma_start3A_494, %dma_start3A_495] : memref<1024x50x300xf32, #tpu.memory_space<hbm>> -> memref<2x50x300xf32, #tpu.memory_space<hbm>>
    tpu.enqueue_dma source(%dma_start3A_496 : memref<2x50x300xf32, #tpu.memory_space<hbm>>) target(%arg4 : memref<2x50x300xf32, #tpu.memory_space<vmem>>) target_semaphore(%dma_start3A_493 : memref<!tpu.dma_semaphore, #tpu.memory_space<semaphore_mem>>)
    %dma_wait3A_497 = arith.constant 0 : i32
    %dma_wait3A_498 = arith.constant 0 : i32
    %dma_wait3A_499 = arith.constant 0 : i32
    %dma_wait3A_500 = tpu.memref_slice %arg2[%add3A_28, %dma_wait3A_498, %dma_wait3A_499] : memref<1024x50x300xf32, #tpu.memory_space<hbm>> -> memref<2x50x300xf32, #tpu.memory_space<hbm>>
    %dma_wait3A_501 = tpu.memref_slice %arg6[%dma_wait3A_497] : memref<2x!tpu.dma_semaphore, #tpu.memory_space<semaphore_mem>> -> memref<1x!tpu.dma_semaphore, #tpu.memory_space<semaphore_mem>>
    %dma_wait3A_502 = tpu.memref_squeeze %dma_wait3A_501 : memref<1x!tpu.dma_semaphore, #tpu.memory_space<semaphore_mem>> -> memref<!tpu.dma_semaphore, #tpu.memory_space<semaphore_mem>>
    %dma_wait3A_503 = arith.constant 0 : i32
    %dma_wait3A_504 = arith.constant 0 : i32
    %dma_wait3A_505 = tpu.memref_slice %arg2[%add3A_28, %dma_wait3A_503, %dma_wait3A_504] : memref<1024x50x300xf32, #tpu.memory_space<hbm>> -> memref<2x50x300xf32, #tpu.memory_space<hbm>>
    tpu.wait_dma2 semaphore(%dma_wait3A_502 : memref<!tpu.dma_semaphore, #tpu.memory_space<semaphore_mem>>) src(%dma_wait3A_505 : memref<2x50x300xf32, #tpu.memory_space<hbm>>) dst(%arg4 : memref<2x50x300xf32, #tpu.memory_space<vmem>>)
    %dma_start3A_506 = arith.constant 0 : i32
    %dma_start3A_507 = arith.constant 0 : i32
    %dma_start3A_508 = arith.constant 0 : i32
    %dma_start3A_509 = tpu.memref_slice %arg3[%add3A_60, %dma_start3A_507, %dma_start3A_508] : memref<1024x50x300xf32, #tpu.memory_space<hbm>> -> memref<2x50x300xf32, #tpu.memory_space<hbm>>
    %dma_start3A_510 = tpu.memref_slice %arg7[%dma_start3A_506] : memref<2x!tpu.dma_semaphore, #tpu.memory_space<semaphore_mem>> -> memref<1x!tpu.dma_semaphore, #tpu.memory_space<semaphore_mem>>
    %dma_start3A_511 = tpu.memref_squeeze %dma_start3A_510 : memref<1x!tpu.dma_semaphore, #tpu.memory_space<semaphore_mem>> -> memref<!tpu.dma_semaphore, #tpu.memory_space<semaphore_mem>>
    %dma_start3A_512 = arith.constant 0 : i32
    %dma_start3A_513 = arith.constant 0 : i32
    %dma_start3A_514 = tpu.memref_slice %arg3[%add3A_60, %dma_start3A_512, %dma_start3A_513] : memref<1024x50x300xf32, #tpu.memory_space<hbm>> -> memref<2x50x300xf32, #tpu.memory_space<hbm>>
    tpu.enqueue_dma source(%arg4 : memref<2x50x300xf32, #tpu.memory_space<vmem>>) target(%dma_start3A_514 : memref<2x50x300xf32, #tpu.memory_space<hbm>>) target_semaphore(%dma_start3A_511 : memref<!tpu.dma_semaphore, #tpu.memory_space<semaphore_mem>>)
    %dma_wait3A_515 = arith.constant 1 : i32
    %dma_wait3A_516 = arith.constant 0 : i32
    %dma_wait3A_517 = arith.constant 0 : i32
    %dma_wait3A_518 = tpu.memref_slice %arg3[%add3A_58, %dma_wait3A_516, %dma_wait3A_517] : memref<1024x50x300xf32, #tpu.memory_space<hbm>> -> memref<2x50x300xf32, #tpu.memory_space<hbm>>
    %dma_wait3A_519 = tpu.memref_slice %arg7[%dma_wait3A_515] : memref<2x!tpu.dma_semaphore, #tpu.memory_space<semaphore_mem>> -> memref<1x!tpu.dma_semaphore, #tpu.memory_space<semaphore_mem>>
    %dma_wait3A_520 = tpu.memref_squeeze %dma_wait3A_519 : memref<1x!tpu.dma_semaphore, #tpu.memory_space<semaphore_mem>> -> memref<!tpu.dma_semaphore, #tpu.memory_space<semaphore_mem>>
    %dma_wait3A_521 = arith.constant 0 : i32
    %dma_wait3A_522 = arith.constant 0 : i32
    %dma_wait3A_523 = tpu.memref_slice %arg3[%add3A_58, %dma_wait3A_521, %dma_wait3A_522] : memref<1024x50x300xf32, #tpu.memory_space<hbm>> -> memref<2x50x300xf32, #tpu.memory_space<hbm>>
    tpu.wait_dma2 semaphore(%dma_wait3A_520 : memref<!tpu.dma_semaphore, #tpu.memory_space<semaphore_mem>>) src(%arg5 : memref<2x50x300xf32, #tpu.memory_space<vmem>>) dst(%dma_wait3A_523 : memref<2x50x300xf32, #tpu.memory_space<hbm>>)
    %dma_start3A_524 = arith.constant 1 : i32
    %dma_start3A_525 = arith.constant 0 : i32
    %dma_start3A_526 = arith.constant 0 : i32
    %dma_start3A_527 = tpu.memref_slice %arg2[%add3A_30, %dma_start3A_525, %dma_start3A_526] : memref<1024x50x300xf32, #tpu.memory_space<hbm>> -> memref<2x50x300xf32, #tpu.memory_space<hbm>>
    %dma_start3A_528 = tpu.memref_slice %arg6[%dma_start3A_524] : memref<2x!tpu.dma_semaphore, #tpu.memory_space<semaphore_mem>> -> memref<1x!tpu.dma_semaphore, #tpu.memory_space<semaphore_mem>>
    %dma_start3A_529 = tpu.memref_squeeze %dma_start3A_528 : memref<1x!tpu.dma_semaphore, #tpu.memory_space<semaphore_mem>> -> memref<!tpu.dma_semaphore, #tpu.memory_space<semaphore_mem>>
    %dma_start3A_530 = arith.constant 0 : i32
    %dma_start3A_531 = arith.constant 0 : i32
    %dma_start3A_532 = tpu.memref_slice %arg2[%add3A_30, %dma_start3A_530, %dma_start3A_531] : memref<1024x50x300xf32, #tpu.memory_space<hbm>> -> memref<2x50x300xf32, #tpu.memory_space<hbm>>
    tpu.enqueue_dma source(%dma_start3A_532 : memref<2x50x300xf32, #tpu.memory_space<hbm>>) target(%arg5 : memref<2x50x300xf32, #tpu.memory_space<vmem>>) target_semaphore(%dma_start3A_529 : memref<!tpu.dma_semaphore, #tpu.memory_space<semaphore_mem>>)
    %dma_wait3A_533 = arith.constant 1 : i32
    %dma_wait3A_534 = arith.constant 0 : i32
    %dma_wait3A_535 = arith.constant 0 : i32
    %dma_wait3A_536 = tpu.memref_slice %arg2[%add3A_30, %dma_wait3A_534, %dma_wait3A_535] : memref<1024x50x300xf32, #tpu.memory_space<hbm>> -> memref<2x50x300xf32, #tpu.memory_space<hbm>>
    %dma_wait3A_537 = tpu.memref_slice %arg6[%dma_wait3A_533] : memref<2x!tpu.dma_semaphore, #tpu.memory_space<semaphore_mem>> -> memref<1x!tpu.dma_semaphore, #tpu.memory_space<semaphore_mem>>
    %dma_wait3A_538 = tpu.memref_squeeze %dma_wait3A_537 : memref<1x!tpu.dma_semaphore, #tpu.memory_space<semaphore_mem>> -> memref<!tpu.dma_semaphore, #tpu.memory_space<semaphore_mem>>
    %dma_wait3A_539 = arith.constant 0 : i32
    %dma_wait3A_540 = arith.constant 0 : i32
    %dma_wait3A_541 = tpu.memref_slice %arg2[%add3A_30, %dma_wait3A_539, %dma_wait3A_540] : memref<1024x50x300xf32, #tpu.memory_space<hbm>> -> memref<2x50x300xf32, #tpu.memory_space<hbm>>
    tpu.wait_dma2 semaphore(%dma_wait3A_538 : memref<!tpu.dma_semaphore, #tpu.memory_space<semaphore_mem>>) src(%dma_wait3A_541 : memref<2x50x300xf32, #tpu.memory_space<hbm>>) dst(%arg5 : memref<2x50x300xf32, #tpu.memory_space<vmem>>)
    %dma_start3A_542 = arith.constant 1 : i32
    %dma_start3A_543 = arith.constant 0 : i32
    %dma_start3A_544 = arith.constant 0 : i32
    %dma_start3A_545 = tpu.memref_slice %arg3[%add3A_62, %dma_start3A_543, %dma_start3A_544] : memref<1024x50x300xf32, #tpu.memory_space<hbm>> -> memref<2x50x300xf32, #tpu.memory_space<hbm>>
    %dma_start3A_546 = tpu.memref_slice %arg7[%dma_start3A_542] : memref<2x!tpu.dma_semaphore, #tpu.memory_space<semaphore_mem>> -> memref<1x!tpu.dma_semaphore, #tpu.memory_space<semaphore_mem>>
    %dma_start3A_547 = tpu.memref_squeeze %dma_start3A_546 : memref<1x!tpu.dma_semaphore, #tpu.memory_space<semaphore_mem>> -> memref<!tpu.dma_semaphore, #tpu.memory_space<semaphore_mem>>
    %dma_start3A_548 = arith.constant 0 : i32
    %dma_start3A_549 = arith.constant 0 : i32
    %dma_start3A_550 = tpu.memref_slice %arg3[%add3A_62, %dma_start3A_548, %dma_start3A_549] : memref<1024x50x300xf32, #tpu.memory_space<hbm>> -> memref<2x50x300xf32, #tpu.memory_space<hbm>>
    tpu.enqueue_dma source(%arg5 : memref<2x50x300xf32, #tpu.memory_space<vmem>>) target(%dma_start3A_550 : memref<2x50x300xf32, #tpu.memory_space<hbm>>) target_semaphore(%dma_start3A_547 : memref<!tpu.dma_semaphore, #tpu.memory_space<semaphore_mem>>)
    %dma_wait3A_551 = arith.constant 0 : i32
    %dma_wait3A_552 = arith.constant 0 : i32
    %dma_wait3A_553 = arith.constant 0 : i32
    %dma_wait3A_554 = tpu.memref_slice %arg3[%add3A_60, %dma_wait3A_552, %dma_wait3A_553] : memref<1024x50x300xf32, #tpu.memory_space<hbm>> -> memref<2x50x300xf32, #tpu.memory_space<hbm>>
    %dma_wait3A_555 = tpu.memref_slice %arg7[%dma_wait3A_551] : memref<2x!tpu.dma_semaphore, #tpu.memory_space<semaphore_mem>> -> memref<1x!tpu.dma_semaphore, #tpu.memory_space<semaphore_mem>>
    %dma_wait3A_556 = tpu.memref_squeeze %dma_wait3A_555 : memref<1x!tpu.dma_semaphore, #tpu.memory_space<semaphore_mem>> -> memref<!tpu.dma_semaphore, #tpu.memory_space<semaphore_mem>>
    %dma_wait3A_557 = arith.constant 0 : i32
    %dma_wait3A_558 = arith.constant 0 : i32
    %dma_wait3A_559 = tpu.memref_slice %arg3[%add3A_60, %dma_wait3A_557, %dma_wait3A_558] : memref<1024x50x300xf32, #tpu.memory_space<hbm>> -> memref<2x50x300xf32, #tpu.memory_space<hbm>>
    tpu.wait_dma2 semaphore(%dma_wait3A_556 : memref<!tpu.dma_semaphore, #tpu.memory_space<semaphore_mem>>) src(%arg4 : memref<2x50x300xf32, #tpu.memory_space<vmem>>) dst(%dma_wait3A_559 : memref<2x50x300xf32, #tpu.memory_space<hbm>>)
    %dma_start3A_560 = arith.constant 0 : i32
    %dma_start3A_561 = arith.constant 0 : i32
    %dma_start3A_562 = arith.constant 0 : i32
    %dma_start3A_563 = tpu.memref_slice %arg2[%add3A_32, %dma_start3A_561, %dma_start3A_562] : memref<1024x50x300xf32, #tpu.memory_space<hbm>> -> memref<2x50x300xf32, #tpu.memory_space<hbm>>
    %dma_start3A_564 = tpu.memref_slice %arg6[%dma_start3A_560] : memref<2x!tpu.dma_semaphore, #tpu.memory_space<semaphore_mem>> -> memref<1x!tpu.dma_semaphore, #tpu.memory_space<semaphore_mem>>
    %dma_start3A_565 = tpu.memref_squeeze %dma_start3A_564 : memref<1x!tpu.dma_semaphore, #tpu.memory_space<semaphore_mem>> -> memref<!tpu.dma_semaphore, #tpu.memory_space<semaphore_mem>>
    %dma_start3A_566 = arith.constant 0 : i32
    %dma_start3A_567 = arith.constant 0 : i32
    %dma_start3A_568 = tpu.memref_slice %arg2[%add3A_32, %dma_start3A_566, %dma_start3A_567] : memref<1024x50x300xf32, #tpu.memory_space<hbm>> -> memref<2x50x300xf32, #tpu.memory_space<hbm>>
    tpu.enqueue_dma source(%dma_start3A_568 : memref<2x50x300xf32, #tpu.memory_space<hbm>>) target(%arg4 : memref<2x50x300xf32, #tpu.memory_space<vmem>>) target_semaphore(%dma_start3A_565 : memref<!tpu.dma_semaphore, #tpu.memory_space<semaphore_mem>>)
    %dma_wait3A_569 = arith.constant 0 : i32
    %dma_wait3A_570 = arith.constant 0 : i32
    %dma_wait3A_571 = arith.constant 0 : i32
    %dma_wait3A_572 = tpu.memref_slice %arg2[%add3A_32, %dma_wait3A_570, %dma_wait3A_571] : memref<1024x50x300xf32, #tpu.memory_space<hbm>> -> memref<2x50x300xf32, #tpu.memory_space<hbm>>
    %dma_wait3A_573 = tpu.memref_slice %arg6[%dma_wait3A_569] : memref<2x!tpu.dma_semaphore, #tpu.memory_space<semaphore_mem>> -> memref<1x!tpu.dma_semaphore, #tpu.memory_space<semaphore_mem>>
    %dma_wait3A_574 = tpu.memref_squeeze %dma_wait3A_573 : memref<1x!tpu.dma_semaphore, #tpu.memory_space<semaphore_mem>> -> memref<!tpu.dma_semaphore, #tpu.memory_space<semaphore_mem>>
    %dma_wait3A_575 = arith.constant 0 : i32
    %dma_wait3A_576 = arith.constant 0 : i32
    %dma_wait3A_577 = tpu.memref_slice %arg2[%add3A_32, %dma_wait3A_575, %dma_wait3A_576] : memref<1024x50x300xf32, #tpu.memory_space<hbm>> -> memref<2x50x300xf32, #tpu.memory_space<hbm>>
    tpu.wait_dma2 semaphore(%dma_wait3A_574 : memref<!tpu.dma_semaphore, #tpu.memory_space<semaphore_mem>>) src(%dma_wait3A_577 : memref<2x50x300xf32, #tpu.memory_space<hbm>>) dst(%arg4 : memref<2x50x300xf32, #tpu.memory_space<vmem>>)
    %dma_start3A_578 = arith.constant 0 : i32
    %dma_start3A_579 = arith.constant 0 : i32
    %dma_start3A_580 = arith.constant 0 : i32
    %dma_start3A_581 = tpu.memref_slice %arg3[%add3A_64, %dma_start3A_579, %dma_start3A_580] : memref<1024x50x300xf32, #tpu.memory_space<hbm>> -> memref<2x50x300xf32, #tpu.memory_space<hbm>>
    %dma_start3A_582 = tpu.memref_slice %arg7[%dma_start3A_578] : memref<2x!tpu.dma_semaphore, #tpu.memory_space<semaphore_mem>> -> memref<1x!tpu.dma_semaphore, #tpu.memory_space<semaphore_mem>>
    %dma_start3A_583 = tpu.memref_squeeze %dma_start3A_582 : memref<1x!tpu.dma_semaphore, #tpu.memory_space<semaphore_mem>> -> memref<!tpu.dma_semaphore, #tpu.memory_space<semaphore_mem>>
    %dma_start3A_584 = arith.constant 0 : i32
    %dma_start3A_585 = arith.constant 0 : i32
    %dma_start3A_586 = tpu.memref_slice %arg3[%add3A_64, %dma_start3A_584, %dma_start3A_585] : memref<1024x50x300xf32, #tpu.memory_space<hbm>> -> memref<2x50x300xf32, #tpu.memory_space<hbm>>
    tpu.enqueue_dma source(%arg4 : memref<2x50x300xf32, #tpu.memory_space<vmem>>) target(%dma_start3A_586 : memref<2x50x300xf32, #tpu.memory_space<hbm>>) target_semaphore(%dma_start3A_583 : memref<!tpu.dma_semaphore, #tpu.memory_space<semaphore_mem>>)
    %dma_wait3A_587 = arith.constant 1 : i32
    %dma_wait3A_588 = arith.constant 0 : i32
    %dma_wait3A_589 = arith.constant 0 : i32
    %dma_wait3A_590 = tpu.memref_slice %arg3[%add3A_62, %dma_wait3A_588, %dma_wait3A_589] : memref<1024x50x300xf32, #tpu.memory_space<hbm>> -> memref<2x50x300xf32, #tpu.memory_space<hbm>>
    %dma_wait3A_591 = tpu.memref_slice %arg7[%dma_wait3A_587] : memref<2x!tpu.dma_semaphore, #tpu.memory_space<semaphore_mem>> -> memref<1x!tpu.dma_semaphore, #tpu.memory_space<semaphore_mem>>
    %dma_wait3A_592 = tpu.memref_squeeze %dma_wait3A_591 : memref<1x!tpu.dma_semaphore, #tpu.memory_space<semaphore_mem>> -> memref<!tpu.dma_semaphore, #tpu.memory_space<semaphore_mem>>
    %dma_wait3A_593 = arith.constant 0 : i32
    %dma_wait3A_594 = arith.constant 0 : i32
    %dma_wait3A_595 = tpu.memref_slice %arg3[%add3A_62, %dma_wait3A_593, %dma_wait3A_594] : memref<1024x50x300xf32, #tpu.memory_space<hbm>> -> memref<2x50x300xf32, #tpu.memory_space<hbm>>
    tpu.wait_dma2 semaphore(%dma_wait3A_592 : memref<!tpu.dma_semaphore, #tpu.memory_space<semaphore_mem>>) src(%arg5 : memref<2x50x300xf32, #tpu.memory_space<vmem>>) dst(%dma_wait3A_595 : memref<2x50x300xf32, #tpu.memory_space<hbm>>)
    %dma_start3A_596 = arith.constant 1 : i32
    %dma_start3A_597 = arith.constant 0 : i32
    %dma_start3A_598 = arith.constant 0 : i32
    %dma_start3A_599 = tpu.memref_slice %arg2[%add3A_34, %dma_start3A_597, %dma_start3A_598] : memref<1024x50x300xf32, #tpu.memory_space<hbm>> -> memref<2x50x300xf32, #tpu.memory_space<hbm>>
    %dma_start3A_600 = tpu.memref_slice %arg6[%dma_start3A_596] : memref<2x!tpu.dma_semaphore, #tpu.memory_space<semaphore_mem>> -> memref<1x!tpu.dma_semaphore, #tpu.memory_space<semaphore_mem>>
    %dma_start3A_601 = tpu.memref_squeeze %dma_start3A_600 : memref<1x!tpu.dma_semaphore, #tpu.memory_space<semaphore_mem>> -> memref<!tpu.dma_semaphore, #tpu.memory_space<semaphore_mem>>
    %dma_start3A_602 = arith.constant 0 : i32
    %dma_start3A_603 = arith.constant 0 : i32
    %dma_start3A_604 = tpu.memref_slice %arg2[%add3A_34, %dma_start3A_602, %dma_start3A_603] : memref<1024x50x300xf32, #tpu.memory_space<hbm>> -> memref<2x50x300xf32, #tpu.memory_space<hbm>>
    tpu.enqueue_dma source(%dma_start3A_604 : memref<2x50x300xf32, #tpu.memory_space<hbm>>) target(%arg5 : memref<2x50x300xf32, #tpu.memory_space<vmem>>) target_semaphore(%dma_start3A_601 : memref<!tpu.dma_semaphore, #tpu.memory_space<semaphore_mem>>)
    %dma_wait3A_605 = arith.constant 1 : i32
    %dma_wait3A_606 = arith.constant 0 : i32
    %dma_wait3A_607 = arith.constant 0 : i32
    %dma_wait3A_608 = tpu.memref_slice %arg2[%add3A_34, %dma_wait3A_606, %dma_wait3A_607] : memref<1024x50x300xf32, #tpu.memory_space<hbm>> -> memref<2x50x300xf32, #tpu.memory_space<hbm>>
    %dma_wait3A_609 = tpu.memref_slice %arg6[%dma_wait3A_605] : memref<2x!tpu.dma_semaphore, #tpu.memory_space<semaphore_mem>> -> memref<1x!tpu.dma_semaphore, #tpu.memory_space<semaphore_mem>>
    %dma_wait3A_610 = tpu.memref_squeeze %dma_wait3A_609 : memref<1x!tpu.dma_semaphore, #tpu.memory_space<semaphore_mem>> -> memref<!tpu.dma_semaphore, #tpu.memory_space<semaphore_mem>>
    %dma_wait3A_611 = arith.constant 0 : i32
    %dma_wait3A_612 = arith.constant 0 : i32
    %dma_wait3A_613 = tpu.memref_slice %arg2[%add3A_34, %dma_wait3A_611, %dma_wait3A_612] : memref<1024x50x300xf32, #tpu.memory_space<hbm>> -> memref<2x50x300xf32, #tpu.memory_space<hbm>>
    tpu.wait_dma2 semaphore(%dma_wait3A_610 : memref<!tpu.dma_semaphore, #tpu.memory_space<semaphore_mem>>) src(%dma_wait3A_613 : memref<2x50x300xf32, #tpu.memory_space<hbm>>) dst(%arg5 : memref<2x50x300xf32, #tpu.memory_space<vmem>>)
    %dma_start3A_614 = arith.constant 1 : i32
    %dma_start3A_615 = arith.constant 0 : i32
    %dma_start3A_616 = arith.constant 0 : i32
    %dma_start3A_617 = tpu.memref_slice %arg3[%add3A_66, %dma_start3A_615, %dma_start3A_616] : memref<1024x50x300xf32, #tpu.memory_space<hbm>> -> memref<2x50x300xf32, #tpu.memory_space<hbm>>
    %dma_start3A_618 = tpu.memref_slice %arg7[%dma_start3A_614] : memref<2x!tpu.dma_semaphore, #tpu.memory_space<semaphore_mem>> -> memref<1x!tpu.dma_semaphore, #tpu.memory_space<semaphore_mem>>
    %dma_start3A_619 = tpu.memref_squeeze %dma_start3A_618 : memref<1x!tpu.dma_semaphore, #tpu.memory_space<semaphore_mem>> -> memref<!tpu.dma_semaphore, #tpu.memory_space<semaphore_mem>>
    %dma_start3A_620 = arith.constant 0 : i32
    %dma_start3A_621 = arith.constant 0 : i32
    %dma_start3A_622 = tpu.memref_slice %arg3[%add3A_66, %dma_start3A_620, %dma_start3A_621] : memref<1024x50x300xf32, #tpu.memory_space<hbm>> -> memref<2x50x300xf32, #tpu.memory_space<hbm>>
    tpu.enqueue_dma source(%arg5 : memref<2x50x300xf32, #tpu.memory_space<vmem>>) target(%dma_start3A_622 : memref<2x50x300xf32, #tpu.memory_space<hbm>>) target_semaphore(%dma_start3A_619 : memref<!tpu.dma_semaphore, #tpu.memory_space<semaphore_mem>>)
    %dma_wait3A_623 = arith.constant 0 : i32
    %dma_wait3A_624 = arith.constant 0 : i32
    %dma_wait3A_625 = arith.constant 0 : i32
    %dma_wait3A_626 = tpu.memref_slice %arg3[%add3A_64, %dma_wait3A_624, %dma_wait3A_625] : memref<1024x50x300xf32, #tpu.memory_space<hbm>> -> memref<2x50x300xf32, #tpu.memory_space<hbm>>
    %dma_wait3A_627 = tpu.memref_slice %arg7[%dma_wait3A_623] : memref<2x!tpu.dma_semaphore, #tpu.memory_space<semaphore_mem>> -> memref<1x!tpu.dma_semaphore, #tpu.memory_space<semaphore_mem>>
    %dma_wait3A_628 = tpu.memref_squeeze %dma_wait3A_627 : memref<1x!tpu.dma_semaphore, #tpu.memory_space<semaphore_mem>> -> memref<!tpu.dma_semaphore, #tpu.memory_space<semaphore_mem>>
    %dma_wait3A_629 = arith.constant 0 : i32
    %dma_wait3A_630 = arith.constant 0 : i32
    %dma_wait3A_631 = tpu.memref_slice %arg3[%add3A_64, %dma_wait3A_629, %dma_wait3A_630] : memref<1024x50x300xf32, #tpu.memory_space<hbm>> -> memref<2x50x300xf32, #tpu.memory_space<hbm>>
    tpu.wait_dma2 semaphore(%dma_wait3A_628 : memref<!tpu.dma_semaphore, #tpu.memory_space<semaphore_mem>>) src(%arg4 : memref<2x50x300xf32, #tpu.memory_space<vmem>>) dst(%dma_wait3A_631 : memref<2x50x300xf32, #tpu.memory_space<hbm>>)
    %dma_wait3A_632 = arith.constant 1 : i32
    %dma_wait3A_633 = arith.constant 0 : i32
    %dma_wait3A_634 = arith.constant 0 : i32
    %dma_wait3A_635 = tpu.memref_slice %arg3[%add3A_66, %dma_wait3A_633, %dma_wait3A_634] : memref<1024x50x300xf32, #tpu.memory_space<hbm>> -> memref<2x50x300xf32, #tpu.memory_space<hbm>>
    %dma_wait3A_636 = tpu.memref_slice %arg7[%dma_wait3A_632] : memref<2x!tpu.dma_semaphore, #tpu.memory_space<semaphore_mem>> -> memref<1x!tpu.dma_semaphore, #tpu.memory_space<semaphore_mem>>
    %dma_wait3A_637 = tpu.memref_squeeze %dma_wait3A_636 : memref<1x!tpu.dma_semaphore, #tpu.memory_space<semaphore_mem>> -> memref<!tpu.dma_semaphore, #tpu.memory_space<semaphore_mem>>
    %dma_wait3A_638 = arith.constant 0 : i32
    %dma_wait3A_639 = arith.constant 0 : i32
    %dma_wait3A_640 = tpu.memref_slice %arg3[%add3A_66, %dma_wait3A_638, %dma_wait3A_639] : memref<1024x50x300xf32, #tpu.memory_space<hbm>> -> memref<2x50x300xf32, #tpu.memory_space<hbm>>
    tpu.wait_dma2 semaphore(%dma_wait3A_637 : memref<!tpu.dma_semaphore, #tpu.memory_space<semaphore_mem>>) src(%arg5 : memref<2x50x300xf32, #tpu.memory_space<vmem>>) dst(%dma_wait3A_640 : memref<2x50x300xf32, #tpu.memory_space<hbm>>)
    return
  }
}

</mosaic_0001>

<sc_bundles>
// kernel: kernel.3.cloned.1.call-start
scs
__scs_entry_jumppad:
0x0: {  	(pc) =	sbr.rel $0x88, $3  }
0x1: {  	(tag) =	ssettag $0x0;
	lr =	simm.s32 $0x1  }
0x2: {  	[smem:$0x3FA0] =	sst lr;
	_ =	strace $0xD0000000  }
0x3: {  	_ = 	snop  }
0x4: {  	_ = 	snop  }
0x5: {  	_ = 	snop  }
0x6: {  	_ = 	snop  }
0x7: {  	_ = 	snop  }
__scs_overlays_trampoline_lowered:
0x8: {  	[smem:$0x3FAF] =	sst s0  }
0x9: {  	[smem:$0x3FB0] =	sst s1  }
0xa: {  	[smem:$0x3FB1] =	sst s2  }
0xb: {  	[smem:$0x3FB2] =	sst s3  }
0xc: {  	[smem:$0x3FB3] =	sst s4  }
0xd: {  	[smem:$0x3FB4] =	sst s5  }
0xe: {  	[smem:$0x3FB5] =	sst s6  }
0xf: {  	[smem:$0x3FB6] =	sst s7  }
0x10: {  	[smem:$0x3FB7] =	sst s8  }
0x11: {  	[smem:$0x3FB8] =	sst s9;
	s0 =	simm.s32 @!p0 $0x0  }
0x12: {  	s1 =	sld [smem:$0x3F9E];
	s0 =	simm.s32 @p0 $0x1  }
0x13: {  	[smem:$0x3FB9] =	sst s0;
	s0 =	simm.s32 @!p1 $0x0  }
0x14: {  	s2 =	sld [smem:$0x3F9D];
	s0 =	simm.s32 @p1 $0x1  }
0x15: {  	[smem:$0x3FBA] =	sst s0;
	s0 =	simm.s32 @!p2 $0x0  }
0x16: {  	s3 =	sld [smem:$0x3FDB];
	s0 =	simm.s32 @p2 $0x1  }
0x17: {  	s4 =	simm.s32 $0x1BF5;
	[smem:$0x3FBC] =	sst s0  }
0x18: {  	s0 =	sld [smem:$0x3F9F];
	_ =	swait.ge [sflag:s4], $0x0  }
0x19: {  	s7 =	sld [smem:$0x3FA0]  }
0x1a: {  	s8 =	sadd.s32 $0xFFFFE003, lr  }
0x1b: {  	s9 =	sadd.s32 $0xFFFFFEF7, lr;
	s5 =	simm.s32 $0xFFFFFFFF;
	p2 =	slt.u32 s8, $0xFFFFF086  }
0x1c: {  	p1 =	slt.u32 s9, $0xF7A;
	s5 =	simm.s32 @!p2 $0x0  }
0x1d: {  	s5 =	simm.s32 @p1 $0x1;
	p0 =	seq.s32 s7, s2  }
0x1e: {  	s7 =	smul.u32 @!p0 $0xF7A, s2;
	p2 =	seq.s32 @!p0 s5, $0x0  }
0x1f: {  	s9 =	smul.u32 $0xF7A, s1;
	s8 =	simm.s32 @!p0 $0x1BF5;
	p2 =	por !p2, p0  }
0x20: {  	[sflag:s8] =	ssyncset.s32 @!p0 $0xFFFFF086;
	s6 =	sadd.s32 @!p0 s3, s7;
	s7 =	simm.s32 @!p0 $0x108  }
0x21: {  	s3 =	sadd.s32 s3, s9;
	s6 =	sadd.s32 @!p0 $0x88, s6;
	s7 =	simm.s32 @p2 $0x1082  }
0x22: {  	[simem:s7], [sflag:s8] =	dma.local @!p0 [hbm:s6], $0xF7A  }
0x23: {  	s9 =	sor.u32 $0xD0000000, s2;
	s6 =	simm.s32 $0x108;
	_ =	swait.ge @!p0 [sflag:s8], $0x0  }
0x24: {  	s3 =	sadd.s32 $0x88, s3;
	s6 =	simm.s32 @!p1 $0x1082;
	[sflag:s4] =	ssyncset.s32 $0xFFFFF086  }
0x25: {  	[simem:s6], [sflag:s4] =	dma.local [hbm:s3], $0xF7A  }
0x26: {  	[smem:$0x3FA0] =	sst s1;
	(tag) =	ssettag s2;
	_ =	strace s9  }
0x27: {  	s1 =	sld [smem:$0x3FB0]  }
0x28: {  	s2 =	sld [smem:$0x3FB1]  }
0x29: {  	s4 =	sld [smem:$0x3FB3]  }
0x2a: {  	p0 =	seq.s32 s5, $0x0;
	s5 =	sld [smem:$0x3FB4]  }
0x2b: {  	s6 =	sld [smem:$0x3FB5]  }
0x2c: {  	s7 =	sld [smem:$0x3FB6]  }
0x2d: {  	s3 =	simm.s32 $0x108;
	s8 =	sld [smem:$0x3FB7]  }
0x2e: {  	s3 =	simm.s32 @!p0 $0x1082;
	s9 =	sld [smem:$0x3FB8]  }
0x2f: {  	lr =	sadd.s32 s0, s3;
	s0 =	sld [smem:$0x3FAF]  }
0x30: {  	s3 =	sld [smem:$0x3FB2]  }
0x31: {  	[smem:$0x3FBB] =	sst s10  }
0x32: {  	s10 =	sld [smem:$0x3FB9];
	_ =	sdelay $0x3  }
0x33: {  	p0 =	seq.s32 s10, $0x1;
	s10 =	sld [smem:$0x3FBB];
	_ =	sdelay $0x3  }
0x34: {  	[smem:$0x3FBB] =	sst s10  }
0x35: {  	s10 =	sld [smem:$0x3FBA];
	_ =	sdelay $0x3  }
0x36: {  	p1 =	seq.s32 s10, $0x1;
	s10 =	sld [smem:$0x3FBB];
	_ =	sdelay $0x3  }
0x37: {  	[smem:$0x3FBB] =	sst s10  }
0x38: {  	s10 =	sld [smem:$0x3FBC]  }
0x39: {  	_ = 	snop;
	(pc) =	sbr.ind lr, $3  }
0x3a: {  	_ = 	snop  }
0x3b: {  	_ = 	snop  }
0x3c: {  	p2 =	seq.s32 s10, $0x1;
	s10 =	sld [smem:$0x3FBB]  }
0x3d: {  	_ =	shalt  }
0x3e: {  	_ =	shalt  }
0x3f: {  	_ =	shalt  }
0x40: {  	_ =	shalt  }
0x41: {  	_ =	shalt  }
0x42: {  	_ =	shalt  }
0x43: {  	_ =	shalt  }
0x44: {  	_ =	shalt  }
0x45: {  	_ =	shalt  }
0x46: {  	_ =	shalt  }
0x47: {  	_ =	shalt  }
0x48: {  	_ =	shalt  }
0x49: {  	_ =	shalt  }
0x4a: {  	_ =	shalt  }
0x4b: {  	_ =	shalt  }
0x4c: {  	_ =	shalt  }
0x4d: {  	_ =	shalt  }
0x4e: {  	_ =	shalt  }
0x4f: {  	_ =	shalt  }
0x50: {  	_ =	shalt  }
0x51: {  	_ =	shalt  }
0x52: {  	_ =	shalt  }
0x53: {  	_ =	shalt  }
0x54: {  	_ =	shalt  }
0x55: {  	_ =	shalt  }
0x56: {  	_ =	shalt  }
0x57: {  	_ =	shalt  }
0x58: {  	_ =	shalt  }
0x59: {  	_ =	shalt  }
0x5a: {  	_ =	shalt  }
0x5b: {  	_ =	shalt  }
0x5c: {  	_ =	shalt  }
0x5d: {  	_ =	shalt  }
0x5e: {  	_ =	shalt  }
0x5f: {  	_ =	shalt  }
0x60: {  	_ =	shalt  }
0x61: {  	_ =	shalt  }
0x62: {  	_ =	shalt  }
0x63: {  	_ =	shalt  }
0x64: {  	_ =	shalt  }
0x65: {  	_ =	shalt  }
0x66: {  	_ =	shalt  }
0x67: {  	_ =	shalt  }
0x68: {  	_ =	shalt  }
0x69: {  	_ =	shalt  }
0x6a: {  	_ =	shalt  }
0x6b: {  	_ =	shalt  }
0x6c: {  	_ =	shalt  }
0x6d: {  	_ =	shalt  }
0x6e: {  	_ =	shalt  }
0x6f: {  	_ =	shalt  }
0x70: {  	_ =	shalt  }
0x71: {  	_ =	shalt  }
0x72: {  	_ =	shalt  }
0x73: {  	_ =	shalt  }
0x74: {  	_ =	shalt  }
0x75: {  	_ =	shalt  }
0x76: {  	_ =	shalt  }
0x77: {  	_ =	shalt  }
0x78: {  	_ =	shalt  }
0x79: {  	_ =	shalt  }
0x7a: {  	_ =	shalt  }
0x7b: {  	_ =	shalt  }
0x7c: {  	_ =	shalt  }
0x7d: {  	_ =	shalt  }
0x7e: {  	_ =	shalt  }
0x7f: {  	_ =	shalt  }
0x80: {  	_ =	shalt  }
0x81: {  	_ =	shalt  }
0x82: {  	_ =	shalt  }
0x83: {  	_ =	shalt  }
0x84: {  	_ =	shalt  }
0x85: {  	_ =	shalt  }
0x86: {  	_ =	shalt  }
0x87: {  	_ =	shalt  }
.Lfunc_end0:
.L_simem_size_0:
called_computation_lowered:
.L_overlay_start_0:
0x88: {  	s2 =	sld [smem:$0x3FD9]  }
0x89: {  	s3 =	sld [smem:$0x3FFE];
	_ =	sdelay $0x1  }
0x8a: {  	s1 =	srdreg.scid  }
0x8b: {  	s0 =	sand.u32 $0x1, s1  }
0x8c: {  	s16 =	sshll.u32 s0, $0xA;
	s2 =	sadd.s32 s3, s2  }
0x8d: {  	s2 =	sadd.s32 s2, s16  }
0x8e: {  	[smem:$0x3FC7] =	sst s2  }
0x8f: {  	_ = 	snop  }
0x90: {  	(tm) =	ssettm $0x1  }
0x91: {  	s17 =	sld [smem:$0x3FFB];
	_ =	sdelay $0x3  }
0x92: {  	_ =	strace s17  }
0x93: {  	s2 =	sld [smem:$0x3FFC];
	_ =	sdelay $0x3  }
0x94: {  	_ =	strace s2  }
0x95: {  	s2 =	sld [smem:$0x3FFD];
	_ =	sdelay $0x3  }
0x96: {  	_ =	strace s2  }
0x97: {  	_ =	strace $0x8FFFFFFF  }
0x98: {  	s18 =	sld [smem:$0x3FDB];
	_ =	sdelay $0x1  }
0x99: {  	s19 =	simm.s32 $_scs_section_size  }
0x9a: {  	s4 =	simm.s32 $_size__tile_overlayer_lowered;
	s5 =	simm.s32 $_tile_overlayer_lowered  }
0x9b: {  	s22 =	simm.s32 $0x1BFF;
	s21 =	sshll.u32 s5, $0x1;
	s2 =	sadd.s32 s19, s18  }
0x9c: {  	s6 =	simm.s32 $0x0;
	s20 =	sshll.u32 s4, $0x1;
	s4 =	sadd.s32 s21, s2  }
0x9d: {  	[timem:s6], [sflag:s22] =	dma.local [hbm:s4], s20  }
0x9e: {  	_ =	swait.ge [sflag:s22], s20  }
0x9f: {  	s3 =	ssub.s32 $0x0, s20;
	[sflag:s22] =	ssyncset.done $0x0  }
0xa0: {  	[sflag:s22] =	ssyncadd.s32 s3;
	_ =	sdelay $0x1  }
0xa1: {  	s23 =	simm.s32 $0x1B8B  }
0xa2: {  	_ =	swait.ge [sflag:s23], $0x1  }
0xa3: {  	[sflag:s23] =	ssyncset.done $0x0  }
0xa4: {  	s25 =	simm.s32 $0x1B8E;
	s24 =	sld [smem:$0x3FFE];
	[sflag:s23] =	ssyncadd.s32 $0xFFFFFFFF  }
0xa5: {  	s26 =	simm.s32 $execute0_lowered;
	[smem:$0x3FD2] =	sst s25  }
0xa6: {  	s4 =	sshll.u32 s26, $0x1;
	_ =	strace $0x80000046;
	[dreg:$0x1] =	wrdreg $0xFFFFFFFF  }
0xa7: {  	s28 =	simm.s32 $_size_execute0_lowered;
	s2 =	sadd.s32 s2, s4;
	[dreg:$0x0] =	wrdreg $0x0  }
0xa8: {  	s4 =	sshll.u32 s28, $0x1;
	[dreg:$0x2] =	wrdreg s2  }
0xa9: {  	[dreg:$0x3] =	wrdreg s4  }
0xaa: {  	[dreg:$0x4] =	wrdreg $0xC0  }
0xab: {  	_ =	task [dreg:s6], $0x5FFFF  }
0xac: {  	[dreg:$0x1] =	wrdreg $0xFFFFFFFF  }
0xad: {  	[dreg:$0x0] =	wrdreg $0x60  }
0xae: {  	[dreg:$0x2] =	wrdreg s24  }
0xaf: {  	[dreg:$0x3] =	wrdreg $0x9  }
0xb0: {  	_ =	task.clear_ibuf [dreg:s6], $0x4FFFF;
	_ =	strace $0x90000046  }
0xb1: {  	s29 =	simm.s32 $0x9;
	_ =	strace $0x80000048  }
0xb2: {  	_ =	swait.ge [sflag:s29], $0x1  }
0xb3: {  	[sflag:s29] =	ssyncadd.s32 $0xFFFFFFFF  }
0xb4: {  	_ =	strace $0x90000048  }
0xb5: {  	_ =	sfence  }
0xb6: {  	s30 =	sld [smem:$0x0];
	_ =	sdelay $0x2  }
0xb7: {  	s31 =	sshll.u32 s1, $0xD;
	s1 =	sshrl.u32 s1, $0x2  }
0xb8: {  	s3 =	sand.u32 $0x4000, s31;
	s1 =	sadd.s32 s1, s30  }
0xb9: {  	s0 =	sor.u32 s3, s0;
	s1 =	sshll.u32 s1, $0x11  }
0xba: {  	s0 =	sor.u32 s1, s0  }
0xbb: {  	s0 =	sadd.s32 $0x8F2B, s0  }
0xbc: {  	[sflag:s0] =	ssyncadd.remote.s32 $0x1  }
0xbd: {  	_ =	sfence.sel $0xFFFF  }
0xbe: {  	[dreg:$0x0] =	wrdreg $0xFFFFFFFF;
	(pc) =	sbr.abs _section_cstart, $3  }
0xbf: {  	[dreg:$0x1] =	wrdreg $0xFFFFFFFF  }
0xc0: {  	_ =	task.clear_ibuf [dreg:s6], $0x2FFFF;
	_ =	strace $0x9FFFFFFF  }
0xc1: {  	(tm) =	ssettm $0x7FFFFFFF  }
tec
execute0_lowered:
.L_overlay_start_1:
0x0: {  	(tag) =	ssettag $0x1  }
0x1: {  	s0 =	srdreg.scid  }
0x2: {  	s2 =	stileid.u32;
	s1 =	sand.u32 $0x1, s0  }
0x3: {  	s7 =	sshll.u32 s2, $0x6;
	s8 =	sshll.u32 s1, $0x5  }
0x4: {  	s0 =	sor.u32 s8, s7  }
0x5: {  	s3 =	rddreg [dreg:$0x0];
	s2 =	simm.s32 $0x0;
	s4 =	smul.u32 $0xA80, s0  }
0x6: {  	s30 =	sadd.s32 $0x400, s3;
	[smem:$0x7FF] =	sst s2;
	s0 =	smul.u32 $0x5400, s0  }
0x7: {  	s31 =	sadd.s32 $0x2A0400, s3;
	_ =	strace $0x80000047;
	s9 =	sadd.s32 s30, s4  }
0x8: {  	s0 =	sshrl.u32 s0, $0x3;
	s10 =	sadd.s32 s31, s4;
	[dreg:$0x2] =	wrdreg s9  }
0x9: {  	s11 =	sadd.s32 $0x1500, s0;
	[dreg:$0x3] =	wrdreg s10  }
0xa: {  	s12 =	sadd.s32 s30, s11;
	s20 =	rddreg [dreg:$0x2]  }
0xb: {  	s14 =	sadd.s32 $0x2A00, s0;
	s13 =	sadd.s32 s31, s11;
	[dreg:$0x4] =	wrdreg s12  }
0xc: {  	s15 =	sadd.s32 s30, s14;
	[dreg:$0x5] =	wrdreg s13  }
0xd: {  	s17 =	sadd.s32 $0x3F00, s0;
	s16 =	sadd.s32 s31, s14;
	[dreg:$0x6] =	wrdreg s15  }
0xe: {  	s18 =	sadd.s32 s30, s17;
	[dreg:$0x7] =	wrdreg s16  }
0xf: {  	s8 =	sadd.s32 $0x5400, s0;
	s19 =	sadd.s32 s31, s17;
	[dreg:$0x8] =	wrdreg s18  }
0x10: {  	s21 =	sadd.s32 s30, s8;
	[dreg:$0x9] =	wrdreg s19  }
0x11: {  	s3 =	simm.s32 $0x1;
	[dreg:$0xa] =	wrdreg s21  }
0x12: {  	[tilespmem:s2], [sflag:$0x1] =	stream.linear.gather [hbm4b:s20+s2], $0xA800, $0x38;
	[tilespmem:$0x15000] =	vst v63  }
0x13: {  	_ =	swait.ge [sflag:s3], $0xA800  }
0x14: {  	[sflag:s3] =	ssyncset.done $0x0  }
0x15: {  	s22 =	rddreg [dreg:$0x3];
	[sflag:s3] =	ssyncadd.s32 $0xFFFF5800  }
0x16: {  	[hbm4b:s22+s2] =	stream.linear.scatter [tilespmem:s2], [sflag:$0x3], $0xA800, $0x38;
	[tilespmem:$0x15000] =	vst v63  }
0x17: {  	s5 =	simm.s32 $0x2;
	s4 =	simm.s32 $0xA800;
	s6 =	rddreg [dreg:$0x4]  }
0x18: {  	[tilespmem:s4], [sflag:$0x2] =	stream.linear.gather [hbm4b:s6+s2], $0xA800, $0x38;
	[tilespmem:$0x15000] =	vst v63  }
0x19: {  	_ =	swait.ge [sflag:s5], $0xA800  }
0x1a: {  	[sflag:s5] =	ssyncset.done $0x0  }
0x1b: {  	s6 =	simm.s32 $0x3;
	s7 =	rddreg [dreg:$0x5];
	[sflag:s5] =	ssyncadd.s32 $0xFFFF5800  }
0x1c: {  	[hbm4b:s7+s2] =	stream.linear.scatter [tilespmem:s4], [sflag:$0x4], $0xA800, $0x38;
	[tilespmem:$0x15000] =	vst v63  }
0x1d: {  	_ =	swait.ge [sflag:s6], $0xA800  }
0x1e: {  	[sflag:s6] =	ssyncset.done $0x0  }
0x1f: {  	s23 =	rddreg [dreg:$0x6];
	[sflag:s6] =	ssyncadd.s32 $0xFFFF5800  }
0x20: {  	[tilespmem:s2], [sflag:$0x1] =	stream.linear.gather [hbm4b:s23+s2], $0xA800, $0x38;
	[tilespmem:$0x15000] =	vst v63  }
0x21: {  	_ =	swait.ge [sflag:s3], $0xA800  }
0x22: {  	[sflag:s3] =	ssyncset.done $0x0  }
0x23: {  	s7 =	simm.s32 $0x4;
	s9 =	rddreg [dreg:$0x7];
	[sflag:s3] =	ssyncadd.s32 $0xFFFF5800  }
0x24: {  	[hbm4b:s9+s2] =	stream.linear.scatter [tilespmem:s2], [sflag:$0x3], $0xA800, $0x38;
	[tilespmem:$0x15000] =	vst v63  }
0x25: {  	_ =	swait.ge [sflag:s7], $0xA800  }
0x26: {  	[sflag:s7] =	ssyncset.done $0x0  }
0x27: {  	s24 =	rddreg [dreg:$0x8];
	[sflag:s7] =	ssyncadd.s32 $0xFFFF5800  }
0x28: {  	[tilespmem:s4], [sflag:$0x2] =	stream.linear.gather [hbm4b:s24+s2], $0xA800, $0x38;
	[tilespmem:$0x15000] =	vst v63  }
0x29: {  	_ =	swait.ge [sflag:s5], $0xA800  }
0x2a: {  	[sflag:s5] =	ssyncset.done $0x0  }
0x2b: {  	s25 =	rddreg [dreg:$0x9];
	[sflag:s5] =	ssyncadd.s32 $0xFFFF5800  }
0x2c: {  	[hbm4b:s25+s2] =	stream.linear.scatter [tilespmem:s4], [sflag:$0x4], $0xA800, $0x38;
	[tilespmem:$0x15000] =	vst v63  }
0x2d: {  	_ =	swait.ge [sflag:s6], $0xA800  }
0x2e: {  	[sflag:s6] =	ssyncset.done $0x0  }
0x2f: {  	s26 =	rddreg [dreg:$0xa];
	[sflag:s6] =	ssyncadd.s32 $0xFFFF5800  }
0x30: {  	[tilespmem:s2], [sflag:$0x1] =	stream.linear.gather [hbm4b:s26+s2], $0xA800, $0x38;
	[tilespmem:$0x15000] =	vst v63  }
0x31: {  	_ =	swait.ge [sflag:s3], $0xA800  }
0x32: {  	s8 =	sadd.s32 s31, s8;
	[sflag:s3] =	ssyncset.done $0x0  }
0x33: {  	[dreg:$0xb] =	wrdreg s8;
	[sflag:s3] =	ssyncadd.s32 $0xFFFF5800  }
0x34: {  	[hbm4b:s8+s2] =	stream.linear.scatter [tilespmem:s2], [sflag:$0x3], $0xA800, $0x38;
	[tilespmem:$0x15000] =	vst v63  }
0x35: {  	_ =	swait.ge [sflag:s7], $0xA800  }
0x36: {  	s10 =	sadd.s32 $0x6900, s0;
	[sflag:s7] =	ssyncset.done $0x0  }
0x37: {  	s9 =	sadd.s32 s30, s10;
	[sflag:s7] =	ssyncadd.s32 $0xFFFF5800  }
0x38: {  	[tilespmem:s4], [sflag:$0x2] =	stream.linear.gather [hbm4b:s9+s2], $0xA800, $0x38;
	[tilespmem:$0x15000] =	vst v63  }
0x39: {  	_ =	swait.ge [sflag:s5], $0xA800  }
0x3a: {  	[sflag:s5] =	ssyncset.done $0x0  }
0x3b: {  	s10 =	sadd.s32 s31, s10;
	[sflag:s5] =	ssyncadd.s32 $0xFFFF5800  }
0x3c: {  	[hbm4b:s10+s2] =	stream.linear.scatter [tilespmem:s4], [sflag:$0x4], $0xA800, $0x38;
	[tilespmem:$0x15000] =	vst v63  }
0x3d: {  	_ =	swait.ge [sflag:s6], $0xA800  }
0x3e: {  	s12 =	sadd.s32 $0x7E00, s0;
	[sflag:s6] =	ssyncset.done $0x0  }
0x3f: {  	s11 =	sadd.s32 s30, s12;
	[sflag:s6] =	ssyncadd.s32 $0xFFFF5800  }
0x40: {  	[tilespmem:s2], [sflag:$0x1] =	stream.linear.gather [hbm4b:s11+s2], $0xA800, $0x38;
	[tilespmem:$0x15000] =	vst v63  }
0x41: {  	_ =	swait.ge [sflag:s3], $0xA800  }
0x42: {  	[sflag:s3] =	ssyncset.done $0x0  }
0x43: {  	s12 =	sadd.s32 s31, s12;
	[sflag:s3] =	ssyncadd.s32 $0xFFFF5800  }
0x44: {  	[hbm4b:s12+s2] =	stream.linear.scatter [tilespmem:s2], [sflag:$0x3], $0xA800, $0x38;
	[tilespmem:$0x15000] =	vst v63  }
0x45: {  	_ =	swait.ge [sflag:s7], $0xA800  }
0x46: {  	s14 =	sadd.s32 $0x9300, s0;
	[sflag:s7] =	ssyncset.done $0x0  }
0x47: {  	s13 =	sadd.s32 s30, s14;
	[sflag:s7] =	ssyncadd.s32 $0xFFFF5800  }
0x48: {  	[tilespmem:s4], [sflag:$0x2] =	stream.linear.gather [hbm4b:s13+s2], $0xA800, $0x38;
	[tilespmem:$0x15000] =	vst v63  }
0x49: {  	_ =	swait.ge [sflag:s5], $0xA800  }
0x4a: {  	[sflag:s5] =	ssyncset.done $0x0  }
0x4b: {  	s14 =	sadd.s32 s31, s14;
	[sflag:s5] =	ssyncadd.s32 $0xFFFF5800  }
0x4c: {  	[hbm4b:s14+s2] =	stream.linear.scatter [tilespmem:s4], [sflag:$0x4], $0xA800, $0x38;
	[tilespmem:$0x15000] =	vst v63  }
0x4d: {  	_ =	swait.ge [sflag:s6], $0xA800  }
0x4e: {  	s16 =	sadd.s32 $0xA800, s0;
	[sflag:s6] =	ssyncset.done $0x0  }
0x4f: {  	s15 =	sadd.s32 s30, s16;
	[sflag:s6] =	ssyncadd.s32 $0xFFFF5800  }
0x50: {  	[tilespmem:s2], [sflag:$0x1] =	stream.linear.gather [hbm4b:s15+s2], $0xA800, $0x38;
	[tilespmem:$0x15000] =	vst v63  }
0x51: {  	_ =	swait.ge [sflag:s3], $0xA800  }
0x52: {  	[sflag:s3] =	ssyncset.done $0x0  }
0x53: {  	s16 =	sadd.s32 s31, s16;
	[sflag:s3] =	ssyncadd.s32 $0xFFFF5800  }
0x54: {  	[hbm4b:s16+s2] =	stream.linear.scatter [tilespmem:s2], [sflag:$0x3], $0xA800, $0x38;
	[tilespmem:$0x15000] =	vst v63  }
0x55: {  	_ =	swait.ge [sflag:s7], $0xA800  }
0x56: {  	s18 =	sadd.s32 $0xBD00, s0;
	[sflag:s7] =	ssyncset.done $0x0  }
0x57: {  	s17 =	sadd.s32 s30, s18;
	[sflag:s7] =	ssyncadd.s32 $0xFFFF5800  }
0x58: {  	[tilespmem:s4], [sflag:$0x2] =	stream.linear.gather [hbm4b:s17+s2], $0xA800, $0x38;
	[tilespmem:$0x15000] =	vst v63  }
0x59: {  	_ =	swait.ge [sflag:s5], $0xA800  }
0x5a: {  	[sflag:s5] =	ssyncset.done $0x0  }
0x5b: {  	s18 =	sadd.s32 s31, s18;
	[sflag:s5] =	ssyncadd.s32 $0xFFFF5800  }
0x5c: {  	[hbm4b:s18+s2] =	stream.linear.scatter [tilespmem:s4], [sflag:$0x4], $0xA800, $0x38;
	[tilespmem:$0x15000] =	vst v63  }
0x5d: {  	_ =	swait.ge [sflag:s6], $0xA800  }
0x5e: {  	s20 =	sadd.s32 $0xD200, s0;
	[sflag:s6] =	ssyncset.done $0x0  }
0x5f: {  	s19 =	sadd.s32 s30, s20;
	[sflag:s6] =	ssyncadd.s32 $0xFFFF5800  }
0x60: {  	[tilespmem:s2], [sflag:$0x1] =	stream.linear.gather [hbm4b:s19+s2], $0xA800, $0x38;
	[tilespmem:$0x15000] =	vst v63  }
0x61: {  	_ =	swait.ge [sflag:s3], $0xA800  }
0x62: {  	[sflag:s3] =	ssyncset.done $0x0  }
0x63: {  	s20 =	sadd.s32 s31, s20;
	[sflag:s3] =	ssyncadd.s32 $0xFFFF5800  }
0x64: {  	[hbm4b:s20+s2] =	stream.linear.scatter [tilespmem:s2], [sflag:$0x3], $0xA800, $0x38;
	[tilespmem:$0x15000] =	vst v63  }
0x65: {  	_ =	swait.ge [sflag:s7], $0xA800  }
0x66: {  	s22 =	sadd.s32 $0xE700, s0;
	[sflag:s7] =	ssyncset.done $0x0  }
0x67: {  	s21 =	sadd.s32 s30, s22;
	[sflag:s7] =	ssyncadd.s32 $0xFFFF5800  }
0x68: {  	[tilespmem:s4], [sflag:$0x2] =	stream.linear.gather [hbm4b:s21+s2], $0xA800, $0x38;
	[tilespmem:$0x15000] =	vst v63  }
0x69: {  	_ =	swait.ge [sflag:s5], $0xA800  }
0x6a: {  	[sflag:s5] =	ssyncset.done $0x0  }
0x6b: {  	s22 =	sadd.s32 s31, s22;
	[sflag:s5] =	ssyncadd.s32 $0xFFFF5800  }
0x6c: {  	[hbm4b:s22+s2] =	stream.linear.scatter [tilespmem:s4], [sflag:$0x4], $0xA800, $0x38;
	[tilespmem:$0x15000] =	vst v63  }
0x6d: {  	_ =	swait.ge [sflag:s6], $0xA800  }
0x6e: {  	s24 =	sadd.s32 $0xFC00, s0;
	[sflag:s6] =	ssyncset.done $0x0  }
0x6f: {  	s23 =	sadd.s32 s30, s24;
	[sflag:s6] =	ssyncadd.s32 $0xFFFF5800  }
0x70: {  	[tilespmem:s2], [sflag:$0x1] =	stream.linear.gather [hbm4b:s23+s2], $0xA800, $0x38;
	[tilespmem:$0x15000] =	vst v63  }
0x71: {  	_ =	swait.ge [sflag:s3], $0xA800  }
0x72: {  	[sflag:s3] =	ssyncset.done $0x0  }
0x73: {  	s24 =	sadd.s32 s31, s24;
	[sflag:s3] =	ssyncadd.s32 $0xFFFF5800  }
0x74: {  	[hbm4b:s24+s2] =	stream.linear.scatter [tilespmem:s2], [sflag:$0x3], $0xA800, $0x38;
	[tilespmem:$0x15000] =	vst v63  }
0x75: {  	_ =	swait.ge [sflag:s7], $0xA800  }
0x76: {  	s26 =	sadd.s32 $0x11100, s0;
	[sflag:s7] =	ssyncset.done $0x0  }
0x77: {  	s25 =	sadd.s32 s30, s26;
	[sflag:s7] =	ssyncadd.s32 $0xFFFF5800  }
0x78: {  	[tilespmem:s4], [sflag:$0x2] =	stream.linear.gather [hbm4b:s25+s2], $0xA800, $0x38;
	[tilespmem:$0x15000] =	vst v63  }
0x79: {  	_ =	swait.ge [sflag:s5], $0xA800  }
0x7a: {  	[sflag:s5] =	ssyncset.done $0x0  }
0x7b: {  	s26 =	sadd.s32 s31, s26;
	[sflag:s5] =	ssyncadd.s32 $0xFFFF5800  }
0x7c: {  	[hbm4b:s26+s2] =	stream.linear.scatter [tilespmem:s4], [sflag:$0x4], $0xA800, $0x38;
	[tilespmem:$0x15000] =	vst v63  }
0x7d: {  	_ =	swait.ge [sflag:s6], $0xA800  }
0x7e: {  	s29 =	sadd.s32 $0x12600, s0;
	[sflag:s6] =	ssyncset.done $0x0  }
0x7f: {  	s28 =	sadd.s32 s30, s29;
	[sflag:s6] =	ssyncadd.s32 $0xFFFF5800  }
0x80: {  	[tilespmem:s2], [sflag:$0x1] =	stream.linear.gather [hbm4b:s28+s2], $0xA800, $0x38;
	[tilespmem:$0x15000] =	vst v63  }
0x81: {  	_ =	swait.ge [sflag:s3], $0xA800  }
0x82: {  	[sflag:s3] =	ssyncset.done $0x0  }
0x83: {  	s29 =	sadd.s32 s31, s29;
	[sflag:s3] =	ssyncadd.s32 $0xFFFF5800  }
0x84: {  	[hbm4b:s29+s2] =	stream.linear.scatter [tilespmem:s2], [sflag:$0x3], $0xA800, $0x38;
	[tilespmem:$0x15000] =	vst v63  }
0x85: {  	_ =	swait.ge [sflag:s7], $0xA800  }
0x86: {  	s0 =	sadd.s32 $0x13B00, s0;
	s8 =	ssub.s32 $0x2, s1;
	[sflag:s7] =	ssyncset.done $0x0  }
0x87: {  	s30 =	sadd.s32 s30, s0;
	s1 =	sshrl.u32 s8, $0x1;
	[sflag:s7] =	ssyncadd.s32 $0xFFFF5800  }
0x88: {  	[tilespmem:s4], [sflag:$0x2] =	stream.linear.gather [hbm4b:s30+s2], $0xA800, $0x38;
	[tilespmem:$0x15000] =	vst v63  }
0x89: {  	s31 =	sadd.s32 s31, s0;
	s0 =	ssub.s32 s8, s1;
	_ =	swait.ge [sflag:s5], $0xA800  }
0x8a: {  	s0 =	smax.u32 s0, $0x1;
	[sflag:s5] =	ssyncset.done $0x0  }
0x8b: {  	p0 =	sne.s32 s0, $0x1;
	[sflag:s5] =	ssyncadd.s32 $0xFFFF5800  }
0x8c: {  	[hbm4b:s31+s2] =	stream.linear.scatter [tilespmem:s4], [sflag:$0x4], $0xA800, $0x38;
	[tilespmem:$0x15000] =	vst v63  }
.Ltmp0:
0x8d: {  	_ =	swait.ge [sflag:s6], $0xA800;
	(pc) =	sbr.rel @!p0 .LBB2_2-.Ltmp0, $4  }
0x8e: {  	[sflag:s6] =	ssyncset.done $0x0  }
0x8f: {  	[sflag:s6] =	ssyncadd.s32 $0xFFFF5800  }
0x90: {  	_ =	swait.ge [sflag:s7], $0xA800  }
0x91: {  	s1 =	sadd.s32 $0xFFFFFFFF, s0;
	[sflag:s7] =	ssyncset.done $0x0  }
.LBB2_1:
0x92: {  	s0 =	rddreg [dreg:$0x2];
	[sflag:s7] =	ssyncadd.s32 $0xFFFF5800  }
0x93: {  	[tilespmem:s2], [sflag:$0x1] =	stream.linear.gather [hbm4b:s0+s2], $0xA800, $0x38;
	[tilespmem:$0x15000] =	vst v63  }
0x94: {  	_ =	swait.ge [sflag:s3], $0xA800  }
0x95: {  	[sflag:s3] =	ssyncset.done $0x0  }
0x96: {  	s0 =	rddreg [dreg:$0x3];
	[sflag:s3] =	ssyncadd.s32 $0xFFFF5800  }
0x97: {  	[hbm4b:s0+s2] =	stream.linear.scatter [tilespmem:s2], [sflag:$0x3], $0xA800, $0x38;
	[tilespmem:$0x15000] =	vst v63  }
0x98: {  	s8 =	rddreg [dreg:$0x4]  }
0x99: {  	[tilespmem:s4], [sflag:$0x2] =	stream.linear.gather [hbm4b:s8+s2], $0xA800, $0x38;
	[tilespmem:$0x15000] =	vst v63  }
0x9a: {  	_ =	swait.ge [sflag:s5], $0xA800  }
0x9b: {  	[sflag:s5] =	ssyncset.done $0x0  }
0x9c: {  	s8 =	rddreg [dreg:$0x5];
	[sflag:s5] =	ssyncadd.s32 $0xFFFF5800  }
0x9d: {  	[hbm4b:s8+s2] =	stream.linear.scatter [tilespmem:s4], [sflag:$0x4], $0xA800, $0x38;
	[tilespmem:$0x15000] =	vst v63  }
0x9e: {  	_ =	swait.ge [sflag:s6], $0xA800  }
0x9f: {  	[sflag:s6] =	ssyncset.done $0x0  }
0xa0: {  	s8 =	rddreg [dreg:$0x6];
	[sflag:s6] =	ssyncadd.s32 $0xFFFF5800  }
0xa1: {  	[tilespmem:s2], [sflag:$0x1] =	stream.linear.gather [hbm4b:s8+s2], $0xA800, $0x38;
	[tilespmem:$0x15000] =	vst v63  }
0xa2: {  	_ =	swait.ge [sflag:s3], $0xA800  }
0xa3: {  	[sflag:s3] =	ssyncset.done $0x0  }
0xa4: {  	s8 =	rddreg [dreg:$0x7];
	[sflag:s3] =	ssyncadd.s32 $0xFFFF5800  }
0xa5: {  	[hbm4b:s8+s2] =	stream.linear.scatter [tilespmem:s2], [sflag:$0x3], $0xA800, $0x38;
	[tilespmem:$0x15000] =	vst v63  }
0xa6: {  	_ =	swait.ge [sflag:s7], $0xA800  }
0xa7: {  	[sflag:s7] =	ssyncset.done $0x0  }
0xa8: {  	s8 =	rddreg [dreg:$0x8];
	[sflag:s7] =	ssyncadd.s32 $0xFFFF5800  }
0xa9: {  	[tilespmem:s4], [sflag:$0x2] =	stream.linear.gather [hbm4b:s8+s2], $0xA800, $0x38;
	[tilespmem:$0x15000] =	vst v63  }
0xaa: {  	_ =	swait.ge [sflag:s5], $0xA800  }
0xab: {  	[sflag:s5] =	ssyncset.done $0x0  }
0xac: {  	s8 =	rddreg [dreg:$0x9];
	[sflag:s5] =	ssyncadd.s32 $0xFFFF5800  }
0xad: {  	[hbm4b:s8+s2] =	stream.linear.scatter [tilespmem:s4], [sflag:$0x4], $0xA800, $0x38;
	[tilespmem:$0x15000] =	vst v63  }
0xae: {  	_ =	swait.ge [sflag:s6], $0xA800  }
0xaf: {  	[sflag:s6] =	ssyncset.done $0x0  }
0xb0: {  	s8 =	rddreg [dreg:$0xa];
	[sflag:s6] =	ssyncadd.s32 $0xFFFF5800  }
0xb1: {  	[tilespmem:s2], [sflag:$0x1] =	stream.linear.gather [hbm4b:s8+s2], $0xA800, $0x38;
	[tilespmem:$0x15000] =	vst v63  }
0xb2: {  	_ =	swait.ge [sflag:s3], $0xA800  }
0xb3: {  	[sflag:s3] =	ssyncset.done $0x0  }
0xb4: {  	s8 =	rddreg [dreg:$0xb];
	[sflag:s3] =	ssyncadd.s32 $0xFFFF5800  }
0xb5: {  	[hbm4b:s8+s2] =	stream.linear.scatter [tilespmem:s2], [sflag:$0x3], $0xA800, $0x38;
	[tilespmem:$0x15000] =	vst v63  }
0xb6: {  	_ =	swait.ge [sflag:s7], $0xA800  }
0xb7: {  	[sflag:s7] =	ssyncset.done $0x0  }
0xb8: {  	[sflag:s7] =	ssyncadd.s32 $0xFFFF5800  }
0xb9: {  	[tilespmem:s4], [sflag:$0x2] =	stream.linear.gather [hbm4b:s9+s2], $0xA800, $0x38;
	[tilespmem:$0x15000] =	vst v63  }
0xba: {  	_ =	swait.ge [sflag:s5], $0xA800  }
0xbb: {  	[sflag:s5] =	ssyncset.done $0x0  }
0xbc: {  	[sflag:s5] =	ssyncadd.s32 $0xFFFF5800  }
0xbd: {  	[hbm4b:s10+s2] =	stream.linear.scatter [tilespmem:s4], [sflag:$0x4], $0xA800, $0x38;
	[tilespmem:$0x15000] =	vst v63  }
0xbe: {  	_ =	swait.ge [sflag:s6], $0xA800  }
0xbf: {  	[sflag:s6] =	ssyncset.done $0x0  }
0xc0: {  	[sflag:s6] =	ssyncadd.s32 $0xFFFF5800  }
0xc1: {  	[tilespmem:s2], [sflag:$0x1] =	stream.linear.gather [hbm4b:s11+s2], $0xA800, $0x38;
	[tilespmem:$0x15000] =	vst v63  }
0xc2: {  	_ =	swait.ge [sflag:s3], $0xA800  }
0xc3: {  	[sflag:s3] =	ssyncset.done $0x0  }
0xc4: {  	[sflag:s3] =	ssyncadd.s32 $0xFFFF5800  }
0xc5: {  	[hbm4b:s12+s2] =	stream.linear.scatter [tilespmem:s2], [sflag:$0x3], $0xA800, $0x38;
	[tilespmem:$0x15000] =	vst v63  }
0xc6: {  	_ =	swait.ge [sflag:s7], $0xA800  }
0xc7: {  	[sflag:s7] =	ssyncset.done $0x0  }
0xc8: {  	[sflag:s7] =	ssyncadd.s32 $0xFFFF5800  }
0xc9: {  	[tilespmem:s4], [sflag:$0x2] =	stream.linear.gather [hbm4b:s13+s2], $0xA800, $0x38;
	[tilespmem:$0x15000] =	vst v63  }
0xca: {  	_ =	swait.ge [sflag:s5], $0xA800  }
0xcb: {  	[sflag:s5] =	ssyncset.done $0x0  }
0xcc: {  	[sflag:s5] =	ssyncadd.s32 $0xFFFF5800  }
0xcd: {  	[hbm4b:s14+s2] =	stream.linear.scatter [tilespmem:s4], [sflag:$0x4], $0xA800, $0x38;
	[tilespmem:$0x15000] =	vst v63  }
0xce: {  	_ =	swait.ge [sflag:s6], $0xA800  }
0xcf: {  	[sflag:s6] =	ssyncset.done $0x0  }
0xd0: {  	[sflag:s6] =	ssyncadd.s32 $0xFFFF5800  }
0xd1: {  	[tilespmem:s2], [sflag:$0x1] =	stream.linear.gather [hbm4b:s15+s2], $0xA800, $0x38;
	[tilespmem:$0x15000] =	vst v63  }
0xd2: {  	_ =	swait.ge [sflag:s3], $0xA800  }
0xd3: {  	[sflag:s3] =	ssyncset.done $0x0  }
0xd4: {  	[sflag:s3] =	ssyncadd.s32 $0xFFFF5800  }
0xd5: {  	[hbm4b:s16+s2] =	stream.linear.scatter [tilespmem:s2], [sflag:$0x3], $0xA800, $0x38;
	[tilespmem:$0x15000] =	vst v63  }
0xd6: {  	_ =	swait.ge [sflag:s7], $0xA800  }
0xd7: {  	[sflag:s7] =	ssyncset.done $0x0  }
0xd8: {  	[sflag:s7] =	ssyncadd.s32 $0xFFFF5800  }
0xd9: {  	[tilespmem:s4], [sflag:$0x2] =	stream.linear.gather [hbm4b:s17+s2], $0xA800, $0x38;
	[tilespmem:$0x15000] =	vst v63  }
0xda: {  	_ =	swait.ge [sflag:s5], $0xA800  }
0xdb: {  	[sflag:s5] =	ssyncset.done $0x0  }
0xdc: {  	[sflag:s5] =	ssyncadd.s32 $0xFFFF5800  }
0xdd: {  	[hbm4b:s18+s2] =	stream.linear.scatter [tilespmem:s4], [sflag:$0x4], $0xA800, $0x38;
	[tilespmem:$0x15000] =	vst v63  }
0xde: {  	_ =	swait.ge [sflag:s6], $0xA800  }
0xdf: {  	[sflag:s6] =	ssyncset.done $0x0  }
0xe0: {  	[sflag:s6] =	ssyncadd.s32 $0xFFFF5800  }
0xe1: {  	[tilespmem:s2], [sflag:$0x1] =	stream.linear.gather [hbm4b:s19+s2], $0xA800, $0x38;
	[tilespmem:$0x15000] =	vst v63  }
0xe2: {  	_ =	swait.ge [sflag:s3], $0xA800  }
0xe3: {  	[sflag:s3] =	ssyncset.done $0x0  }
0xe4: {  	[sflag:s3] =	ssyncadd.s32 $0xFFFF5800  }
0xe5: {  	[hbm4b:s20+s2] =	stream.linear.scatter [tilespmem:s2], [sflag:$0x3], $0xA800, $0x38;
	[tilespmem:$0x15000] =	vst v63  }
0xe6: {  	_ =	swait.ge [sflag:s7], $0xA800  }
0xe7: {  	[sflag:s7] =	ssyncset.done $0x0  }
0xe8: {  	[sflag:s7] =	ssyncadd.s32 $0xFFFF5800  }
0xe9: {  	[tilespmem:s4], [sflag:$0x2] =	stream.linear.gather [hbm4b:s21+s2], $0xA800, $0x38;
	[tilespmem:$0x15000] =	vst v63  }
0xea: {  	_ =	swait.ge [sflag:s5], $0xA800  }
0xeb: {  	[sflag:s5] =	ssyncset.done $0x0  }
0xec: {  	[sflag:s5] =	ssyncadd.s32 $0xFFFF5800  }
0xed: {  	[hbm4b:s22+s2] =	stream.linear.scatter [tilespmem:s4], [sflag:$0x4], $0xA800, $0x38;
	[tilespmem:$0x15000] =	vst v63  }
0xee: {  	_ =	swait.ge [sflag:s6], $0xA800  }
0xef: {  	[sflag:s6] =	ssyncset.done $0x0  }
0xf0: {  	[sflag:s6] =	ssyncadd.s32 $0xFFFF5800  }
0xf1: {  	[tilespmem:s2], [sflag:$0x1] =	stream.linear.gather [hbm4b:s23+s2], $0xA800, $0x38;
	[tilespmem:$0x15000] =	vst v63  }
0xf2: {  	_ =	swait.ge [sflag:s3], $0xA800  }
0xf3: {  	[sflag:s3] =	ssyncset.done $0x0  }
0xf4: {  	[sflag:s3] =	ssyncadd.s32 $0xFFFF5800  }
0xf5: {  	[hbm4b:s24+s2] =	stream.linear.scatter [tilespmem:s2], [sflag:$0x3], $0xA800, $0x38;
	[tilespmem:$0x15000] =	vst v63  }
0xf6: {  	_ =	swait.ge [sflag:s7], $0xA800  }
0xf7: {  	[sflag:s7] =	ssyncset.done $0x0  }
0xf8: {  	[sflag:s7] =	ssyncadd.s32 $0xFFFF5800  }
0xf9: {  	[tilespmem:s4], [sflag:$0x2] =	stream.linear.gather [hbm4b:s25+s2], $0xA800, $0x38;
	[tilespmem:$0x15000] =	vst v63  }
0xfa: {  	_ =	swait.ge [sflag:s5], $0xA800  }
0xfb: {  	[sflag:s5] =	ssyncset.done $0x0  }
0xfc: {  	[sflag:s5] =	ssyncadd.s32 $0xFFFF5800  }
0xfd: {  	[hbm4b:s26+s2] =	stream.linear.scatter [tilespmem:s4], [sflag:$0x4], $0xA800, $0x38;
	[tilespmem:$0x15000] =	vst v63  }
0xfe: {  	_ =	swait.ge [sflag:s6], $0xA800  }
0xff: {  	[sflag:s6] =	ssyncset.done $0x0  }
0x100: {  	[sflag:s6] =	ssyncadd.s32 $0xFFFF5800  }
0x101: {  	[tilespmem:s2], [sflag:$0x1] =	stream.linear.gather [hbm4b:s28+s2], $0xA800, $0x38;
	[tilespmem:$0x15000] =	vst v63  }
0x102: {  	_ =	swait.ge [sflag:s3], $0xA800  }
0x103: {  	[sflag:s3] =	ssyncset.done $0x0  }
0x104: {  	[sflag:s3] =	ssyncadd.s32 $0xFFFF5800  }
0x105: {  	[hbm4b:s29+s2] =	stream.linear.scatter [tilespmem:s2], [sflag:$0x3], $0xA800, $0x38;
	[tilespmem:$0x15000] =	vst v63  }
0x106: {  	_ =	swait.ge [sflag:s7], $0xA800  }
0x107: {  	[sflag:s7] =	ssyncset.done $0x0  }
0x108: {  	[sflag:s7] =	ssyncadd.s32 $0xFFFF5800  }
0x109: {  	[tilespmem:s4], [sflag:$0x2] =	stream.linear.gather [hbm4b:s30+s2], $0xA800, $0x38;
	[tilespmem:$0x15000] =	vst v63  }
0x10a: {  	_ =	swait.ge [sflag:s5], $0xA800  }
0x10b: {  	[sflag:s5] =	ssyncset.done $0x0  }
0x10c: {  	p0 =	sne.s32 s1, $0x1;
	[sflag:s5] =	ssyncadd.s32 $0xFFFF5800  }
0x10d: {  	[hbm4b:s31+s2] =	stream.linear.scatter [tilespmem:s4], [sflag:$0x4], $0xA800, $0x38;
	[tilespmem:$0x15000] =	vst v63  }
.Ltmp1:
0x10e: {  	_ =	swait.ge [sflag:s6], $0xA800;
	(pc) =	sbr.rel @p0 .LBB2_1-.Ltmp1, $4  }
0x10f: {  	[sflag:s6] =	ssyncset.done $0x0  }
0x110: {  	[sflag:s6] =	ssyncadd.s32 $0xFFFF5800  }
0x111: {  	_ =	swait.ge [sflag:s7], $0xA800  }
0x112: {  	s1 =	sadd.s32 $0xFFFFFFFF, s1;
	[sflag:s7] =	ssyncset.done $0x0  }
.LBB2_2:
0x113: {  	[sflag:s7] =	ssyncadd.s32 $0xFFFF5800  }
0x114: {  	_ =	sfence.sel $0x180000  }
0x115: {  	[bflag:$0x0] =	sbarrier.arrive $0xFFFF  }
0x116: {  	_ =	strace $0x90000047  }
0x117: {  	s0 =	stileid.u32;
	[bflag:$0x2] =	sbarrier.arrive $0xFFFF  }
0x118: {  	p0 =	sne.s32 s0, $0x0;
	s0 =	rddreg [dreg:$0x1]  }
0x119: {  	s0 =	sadd.s32 @!p0 $0x100000, s0  }
0x11a: {  	[sflag:s0] =	ssyncadd.tile.s32 @!p0 $0x1;
	_ =	shalt  }
.Lfunc_end2:
_tile_overlayer_lowered:
.L_overlay_start_2:
0x11b: {  	(tag) =	ssettag $0x2  }
0x11c: {  	s0 =	rddreg [dreg:$0x0];
	s2 =	stileid.u32  }
0x11d: {  	s1 =	rddreg [dreg:$0x1];
	p0 =	sne.s32 s2, $0x0  }
0x11e: {  	s3 =	rddreg [dreg:$0x2];
	[bflag:$0x3] =	sbarrier.arrive $0xFFFF;
	s2 =	simm.s32 @!p0 $0x1C05  }
0x11f: {  	[timem:s3], [sflag:s2] =	dma.local @!p0 [hbm:s0], s1  }
0x120: {  	s0 =	simm.s32 @!p0 $0x5  }
0x121: {  	_ =	swait.ge @!p0 [sflag:s0], s1  }
0x122: {  	s1 =	ssub.s32 @!p0 $0x0, s1;
	[sflag:s0] =	ssyncset.done @!p0 $0x0  }
0x123: {  	[sflag:s0] =	ssyncadd.s32 @!p0 s1  }
0x124: {  	[bflag:$0x3] =	sbarrier.arrive $0xFFFF  }
0x125: {  	_ =	shalt  }

</sc_bundles>
